<compile_context>
chip_gen: v7x
topology: tpu7x:2x2x1
jax: 0.10.2.dev20260603
libtpu: 0.0.44.dev20260713+nightly
codegen_flags: <defaults>
</compile_context>

<pallas_src>
import jax
import jax.numpy as jnp
from jax import lax
from jax.experimental import pallas as pl
from jax.experimental.pallas import tpu as pltpu
from jax.experimental.pallas import tpu_sc as plsc

D_MODEL = 768
BATCH = 4
SEQ = 4096
NC, NS = 2, 16
NW = NC * NS
BPW = BATCH * SEQ // NW
WPB = SEQ // BPW
CHUNK = 32
NCH = BPW // CHUNK
NBUF = 5


def _make_gather():
    mesh = plsc.VectorSubcoreMesh(core_axis_name="c", subcore_axis_name="s")

    @jax.jit
    def run(tokens, W_E):
        def body(tokens_hbm, table_hbm, out_hbm, tok_out_hbm,
                 idx_v, bufs, gsems, osems, tsem):
            wid = lax.axis_index("s") * NC + lax.axis_index("c")
            b = wid // WPB
            s0 = (wid % WPB) * BPW
            head = 256
            pltpu.sync_copy(tokens_hbm.at[b, pl.ds(s0, head)],
                            idx_v.at[pl.ds(0, head)])
            sh = pltpu.async_copy(tokens_hbm.at[b, pl.ds(s0 + head,
                                                         BPW - head)],
                                  idx_v.at[pl.ds(head, BPW - head)], tsem)

            def start_gather(i):
                k = i % NBUF
                return pltpu.async_copy(
                    table_hbm.at[idx_v.at[pl.ds(i * CHUNK, CHUNK)]],
                    bufs[k], gsems[k])

            def start_out(i):
                k = i % NBUF
                return pltpu.async_copy(
                    bufs[k],
                    out_hbm.at[b, pl.ds(s0 + i * CHUNK, CHUNK)],
                    osems[k])

            gh = {i: start_gather(i) for i in range(min(NBUF, NCH))}
            sh.wait()
            th = pltpu.async_copy(idx_v, tok_out_hbm.at[b, pl.ds(s0, BPW)],
                                  tsem)
            oh = {}
            for i in range(NCH):
                gh[i].wait()
                oh[i] = start_out(i)
                if i + NBUF < NCH:
                    oh[i].wait()
                    gh[i + NBUF] = start_gather(i + NBUF)
            for i in range(max(0, NCH - NBUF), NCH):
                oh[i].wait()
            th.wait()

        kfn = pl.kernel(
            body,
            out_type=(
                jax.ShapeDtypeStruct((BATCH, SEQ, D_MODEL), jnp.float32),
                jax.ShapeDtypeStruct((BATCH, SEQ), jnp.int32),
            ),
            mesh=mesh,
            scratch_types=[
                pltpu.VMEM((BPW,), jnp.int32),
                tuple(pltpu.VMEM((CHUNK, D_MODEL), jnp.float32)
                      for _ in range(NBUF)),
                tuple(pltpu.SemaphoreType.DMA for _ in range(NBUF)),
                tuple(pltpu.SemaphoreType.DMA for _ in range(NBUF)),
                pltpu.SemaphoreType.DMA,
            ],
        )
        return kfn(tokens, W_E)

    return run


_gather = _make_gather()


def kernel(tokens, W_E):
    emb, tok_out = _gather(tokens.astype(jnp.int32), W_E)
    return (tok_out.astype(tokens.dtype), emb)

# --- scband reference (transcript-rebuilt; emitter-appended) ---
"""Pipeline reference for scband-embed-180388626507 (READ-ONLY COPY).

The authoritative reference and input builder live on the scoring server;
editing this copy changes nothing except your own understanding.
"""

import jax, jax.numpy as jnp
import numpy as np

D_VOCAB = 100000
D_MODEL = 768
BATCH = 4
SEQ = 4096


def setup_inputs(seed: int = 0) -> dict:
    key = jax.random.key(seed)
    k_tok, k_w = jax.random.split(key)
    tokens = jax.random.randint(k_tok, (BATCH, SEQ), 0, D_VOCAB, dtype=jnp.int64 if jax.config.jax_enable_x64 else jnp.int32)
    W_E = jax.random.normal(k_w, (D_VOCAB, D_MODEL), dtype=jnp.float32) * 0.02
    return {"tokens": tokens, "W_E": W_E}


def reference(tokens, W_E):
    # Faithful translation of Embed.forward: returns (tokens, W_E[tokens, :])
    embeddings = jnp.take(W_E, tokens, axis=0)
    return (tokens, embeddings)

if __name__ == "__main__":
    import jax
    _d = setup_inputs()
    print(jax.jit(kernel)(*tuple(_d.values())))

</pallas_src>

<mosaic_0001>
#map = affine_map<(d0, d1) -> (0, 0)>
#map1 = affine_map<(d0, d1) -> (0, 0, 0)>
module attributes {stable_mosaic.version = 14 : i64} {
  func.func @body(%arg0: i32, %arg1: i32, %arg2: memref<4x4096xi32, #tpu.memory_space<hbm>>, %arg3: memref<100000x768xf32, #tpu.memory_space<hbm>>, %arg4: memref<4x4096x768xf32, #tpu.memory_space<hbm>>, %arg5: memref<4x4096xi32, #tpu.memory_space<hbm>>, %arg6: memref<512xi32, #tpu.memory_space<vmem>>, %arg7: memref<32x768xf32, #tpu.memory_space<vmem>>, %arg8: memref<32x768xf32, #tpu.memory_space<vmem>>, %arg9: memref<32x768xf32, #tpu.memory_space<vmem>>, %arg10: memref<32x768xf32, #tpu.memory_space<vmem>>, %arg11: memref<32x768xf32, #tpu.memory_space<vmem>>, %arg12: memref<!tpu.dma_semaphore, #tpu.memory_space<semaphore_mem>>, %arg13: memref<!tpu.dma_semaphore, #tpu.memory_space<semaphore_mem>>, %arg14: memref<!tpu.dma_semaphore, #tpu.memory_space<semaphore_mem>>, %arg15: memref<!tpu.dma_semaphore, #tpu.memory_space<semaphore_mem>>, %arg16: memref<!tpu.dma_semaphore, #tpu.memory_space<semaphore_mem>>, %arg17: memref<!tpu.dma_semaphore, #tpu.memory_space<semaphore_mem>>, %arg18: memref<!tpu.dma_semaphore, #tpu.memory_space<semaphore_mem>>, %arg19: memref<!tpu.dma_semaphore, #tpu.memory_space<semaphore_mem>>, %arg20: memref<!tpu.dma_semaphore, #tpu.memory_space<semaphore_mem>>, %arg21: memref<!tpu.dma_semaphore, #tpu.memory_space<semaphore_mem>>, %arg22: memref<!tpu.dma_semaphore, #tpu.memory_space<semaphore_mem>>) attributes {dimension_semantics = [#tpu.dimension_semantics<core_parallel>, #tpu.dimension_semantics<subcore_parallel>], iteration_bounds = array<i64: 2, 16>, scalar_prefetch = 0 : i64, scratch_operands = 17 : i64, tpu.core_type = #tpu.core_type<sc_vector_subcore>, window_params = [{transform_indices = #map}, {transform_indices = #map}, {transform_indices = #map1}, {transform_indices = #map}]} {
    %mul3A = arith.constant 2 : i32
    %mul3A_0 = arith.muli %arg1, %mul3A : i32
    %add3A = arith.addi %mul3A_0, %arg0 : i32
    %jit3A = arith.constant 8 : i32
    %div3A = arith.divsi %add3A, %jit3A : i32
    %sign3A = arith.constant 0 : i32
    %sign3A_1 = arith.cmpi sgt, %add3A, %sign3A : i32
    %sign3A_2 = arith.extui %sign3A_1 : i1 to i32
    %sign3A_3 = arith.constant 0 : i32
    %sign3A_4 = arith.cmpi slt, %add3A, %sign3A_3 : i32
    %sign3A_5 = arith.extui %sign3A_4 : i1 to i32
    %sign3A_6 = arith.subi %sign3A_2, %sign3A_5 : i32
    %sign3A_7 = arith.constant 0 : i32
    %sign3A_8 = arith.cmpi sgt, %jit3A, %sign3A_7 : i32
    %sign3A_9 = arith.extui %sign3A_8 : i1 to i32
    %sign3A_10 = arith.constant 0 : i32
    %sign3A_11 = arith.cmpi slt, %jit3A, %sign3A_10 : i32
    %sign3A_12 = arith.extui %sign3A_11 : i1 to i32
    %sign3A_13 = arith.subi %sign3A_9, %sign3A_12 : i32
    %ne3A = arith.cmpi ne, %sign3A_6, %sign3A_13 : i32
    %rem3A = arith.remsi %add3A, %jit3A : i32
    %ne3A_14 = arith.constant 0 : i32
    %ne3A_15 = arith.cmpi ne, %rem3A, %ne3A_14 : i32
    %and3A = arith.andi %ne3A, %ne3A_15 : i1
    %sub3A = arith.constant 1 : i32
    %sub3A_16 = arith.subi %div3A, %sub3A : i32
    %select_n3A = arith.select %and3A, %sub3A_16, %div3A : i32
    %jit3A_17 = arith.constant 8 : i32
    %eq3A = arith.constant 0 : i32
    %eq3A_18 = arith.cmpi eq, %jit3A_17, %eq3A : i32
    %jit3A_19 = arith.constant 1 : i32
    %select_n3A_20 = arith.select %eq3A_18, %jit3A_19, %jit3A_17 : i32
    %rem3A_21 = arith.remsi %add3A, %select_n3A_20 : i32
    %ne3A_22 = arith.constant 0 : i32
    %ne3A_23 = arith.cmpi ne, %rem3A_21, %ne3A_22 : i32
    %lt3A = arith.constant 0 : i32
    %lt3A_24 = arith.cmpi slt, %rem3A_21, %lt3A : i32
    %lt3A_25 = arith.constant 0 : i32
    %lt3A_26 = arith.cmpi slt, %select_n3A_20, %lt3A_25 : i32
    %ne3A_27 = arith.xori %lt3A_24, %lt3A_26 : i1
    %and3A_28 = arith.andi %ne3A_27, %ne3A_23 : i1
    %add3A_29 = arith.addi %rem3A_21, %select_n3A_20 : i32
    %select_n3A_30 = arith.select %and3A_28, %add3A_29, %rem3A_21 : i32
    %mul3A_31 = arith.constant 512 : i32
    %mul3A_32 = arith.muli %select_n3A_30, %mul3A_31 : i32
    "tpu.region"() ({
      %run_scoped3A = tpu.sem_alloc : memref<!tpu.dma_semaphore, #tpu.memory_space<semaphore_mem>>
      %dma_start3A_441 = arith.constant 0 : i32
      %dma_start3A_442 = tpu.memref_slice %arg6[%dma_start3A_441] : memref<512xi32, #tpu.memory_space<vmem>> -> memref<256xi32, #tpu.memory_space<vmem>>
      %dma_start3A_443 = tpu.memref_slice %arg2[%select_n3A, %mul3A_32] : memref<4x4096xi32, #tpu.memory_space<hbm>> -> memref<1x256xi32, #tpu.memory_space<hbm>>
      %dma_start3A_444 = tpu.memref_squeeze %dma_start3A_443 : memref<1x256xi32, #tpu.memory_space<hbm>> -> memref<256xi32, #tpu.memory_space<hbm>>
      %dma_start3A_445 = arith.constant 0 : i32
      %dma_start3A_446 = tpu.memref_slice %arg6[%dma_start3A_445] : memref<512xi32, #tpu.memory_space<vmem>> -> memref<256xi32, #tpu.memory_space<vmem>>
      %dma_start3A_447 = tpu.memref_slice %arg2[%select_n3A, %mul3A_32] : memref<4x4096xi32, #tpu.memory_space<hbm>> -> memref<1x256xi32, #tpu.memory_space<hbm>>
      %dma_start3A_448 = tpu.memref_squeeze %dma_start3A_447 : memref<1x256xi32, #tpu.memory_space<hbm>> -> memref<256xi32, #tpu.memory_space<hbm>>
      tpu.enqueue_dma source(%dma_start3A_448 : memref<256xi32, #tpu.memory_space<hbm>>) target(%dma_start3A_446 : memref<256xi32, #tpu.memory_space<vmem>>) target_semaphore(%run_scoped3A : memref<!tpu.dma_semaphore, #tpu.memory_space<semaphore_mem>>)
      %dma_wait3A_449 = arith.constant 0 : i32
      %dma_wait3A_450 = tpu.memref_slice %arg6[%dma_wait3A_449] : memref<512xi32, #tpu.memory_space<vmem>> -> memref<256xi32, #tpu.memory_space<vmem>>
      %dma_wait3A_451 = tpu.memref_slice %arg2[%select_n3A, %mul3A_32] : memref<4x4096xi32, #tpu.memory_space<hbm>> -> memref<1x256xi32, #tpu.memory_space<hbm>>
      %dma_wait3A_452 = tpu.memref_squeeze %dma_wait3A_451 : memref<1x256xi32, #tpu.memory_space<hbm>> -> memref<256xi32, #tpu.memory_space<hbm>>
      %dma_wait3A_453 = arith.constant 0 : i32
      %dma_wait3A_454 = tpu.memref_slice %arg6[%dma_wait3A_453] : memref<512xi32, #tpu.memory_space<vmem>> -> memref<256xi32, #tpu.memory_space<vmem>>
      %dma_wait3A_455 = tpu.memref_slice %arg2[%select_n3A, %mul3A_32] : memref<4x4096xi32, #tpu.memory_space<hbm>> -> memref<1x256xi32, #tpu.memory_space<hbm>>
      %dma_wait3A_456 = tpu.memref_squeeze %dma_wait3A_455 : memref<1x256xi32, #tpu.memory_space<hbm>> -> memref<256xi32, #tpu.memory_space<hbm>>
      tpu.wait_dma2 semaphore(%run_scoped3A : memref<!tpu.dma_semaphore, #tpu.memory_space<semaphore_mem>>) src(%dma_wait3A_456 : memref<256xi32, #tpu.memory_space<hbm>>) dst(%dma_wait3A_454 : memref<256xi32, #tpu.memory_space<vmem>>)
      tpu.yield
    }) : () -> ()
    %add3A_33 = arith.constant 256 : i32
    %add3A_34 = arith.addi %mul3A_32, %add3A_33 : i32
    %dma_start3A = arith.constant 256 : i32
    %dma_start3A_35 = tpu.memref_slice %arg6[%dma_start3A] : memref<512xi32, #tpu.memory_space<vmem>> -> memref<256xi32, #tpu.memory_space<vmem>>
    %dma_start3A_36 = tpu.memref_slice %arg2[%select_n3A, %add3A_34] : memref<4x4096xi32, #tpu.memory_space<hbm>> -> memref<1x256xi32, #tpu.memory_space<hbm>>
    %dma_start3A_37 = tpu.memref_squeeze %dma_start3A_36 : memref<1x256xi32, #tpu.memory_space<hbm>> -> memref<256xi32, #tpu.memory_space<hbm>>
    %dma_start3A_38 = arith.constant 256 : i32
    %dma_start3A_39 = tpu.memref_slice %arg6[%dma_start3A_38] : memref<512xi32, #tpu.memory_space<vmem>> -> memref<256xi32, #tpu.memory_space<vmem>>
    %dma_start3A_40 = tpu.memref_slice %arg2[%select_n3A, %add3A_34] : memref<4x4096xi32, #tpu.memory_space<hbm>> -> memref<1x256xi32, #tpu.memory_space<hbm>>
    %dma_start3A_41 = tpu.memref_squeeze %dma_start3A_40 : memref<1x256xi32, #tpu.memory_space<hbm>> -> memref<256xi32, #tpu.memory_space<hbm>>
    tpu.enqueue_dma source(%dma_start3A_41 : memref<256xi32, #tpu.memory_space<hbm>>) target(%dma_start3A_39 : memref<256xi32, #tpu.memory_space<vmem>>) target_semaphore(%arg22 : memref<!tpu.dma_semaphore, #tpu.memory_space<semaphore_mem>>)
    %dma_start3A_42 = arith.constant 0 : i32
    %dma_start3A_43 = tpu.memref_slice %arg6[%dma_start3A_42] : memref<512xi32, #tpu.memory_space<vmem>> -> memref<32xi32, #tpu.memory_space<vmem>>
    %dma_start3A_44 = arith.constant 0 : i32
    %dma_start3A_45 = arith.constant 0 : i32
    %dma_start3A_46 = tpu.memref_slice %arg3[%dma_start3A_44, %dma_start3A_45] : memref<100000x768xf32, #tpu.memory_space<hbm>> -> memref<100000x768xf32, #tpu.memory_space<hbm>>
    tpu.enqueue_indirect_dma source(%dma_start3A_46 : memref<100000x768xf32, #tpu.memory_space<hbm>>) target(%arg7 : memref<32x768xf32, #tpu.memory_space<vmem>>) offsets(%dma_start3A_43 : memref<32xi32, #tpu.memory_space<vmem>>) semaphore(%arg12 : memref<!tpu.dma_semaphore, #tpu.memory_space<semaphore_mem>>)
    %dma_start3A_47 = arith.constant 32 : i32
    %dma_start3A_48 = tpu.memref_slice %arg6[%dma_start3A_47] : memref<512xi32, #tpu.memory_space<vmem>> -> memref<32xi32, #tpu.memory_space<vmem>>
    %dma_start3A_49 = arith.constant 0 : i32
    %dma_start3A_50 = arith.constant 0 : i32
    %dma_start3A_51 = tpu.memref_slice %arg3[%dma_start3A_49, %dma_start3A_50] : memref<100000x768xf32, #tpu.memory_space<hbm>> -> memref<100000x768xf32, #tpu.memory_space<hbm>>
    tpu.enqueue_indirect_dma source(%dma_start3A_51 : memref<100000x768xf32, #tpu.memory_space<hbm>>) target(%arg8 : memref<32x768xf32, #tpu.memory_space<vmem>>) offsets(%dma_start3A_48 : memref<32xi32, #tpu.memory_space<vmem>>) semaphore(%arg13 : memref<!tpu.dma_semaphore, #tpu.memory_space<semaphore_mem>>)
    %dma_start3A_52 = arith.constant 64 : i32
    %dma_start3A_53 = tpu.memref_slice %arg6[%dma_start3A_52] : memref<512xi32, #tpu.memory_space<vmem>> -> memref<32xi32, #tpu.memory_space<vmem>>
    %dma_start3A_54 = arith.constant 0 : i32
    %dma_start3A_55 = arith.constant 0 : i32
    %dma_start3A_56 = tpu.memref_slice %arg3[%dma_start3A_54, %dma_start3A_55] : memref<100000x768xf32, #tpu.memory_space<hbm>> -> memref<100000x768xf32, #tpu.memory_space<hbm>>
    tpu.enqueue_indirect_dma source(%dma_start3A_56 : memref<100000x768xf32, #tpu.memory_space<hbm>>) target(%arg9 : memref<32x768xf32, #tpu.memory_space<vmem>>) offsets(%dma_start3A_53 : memref<32xi32, #tpu.memory_space<vmem>>) semaphore(%arg14 : memref<!tpu.dma_semaphore, #tpu.memory_space<semaphore_mem>>)
    %dma_start3A_57 = arith.constant 96 : i32
    %dma_start3A_58 = tpu.memref_slice %arg6[%dma_start3A_57] : memref<512xi32, #tpu.memory_space<vmem>> -> memref<32xi32, #tpu.memory_space<vmem>>
    %dma_start3A_59 = arith.constant 0 : i32
    %dma_start3A_60 = arith.constant 0 : i32
    %dma_start3A_61 = tpu.memref_slice %arg3[%dma_start3A_59, %dma_start3A_60] : memref<100000x768xf32, #tpu.memory_space<hbm>> -> memref<100000x768xf32, #tpu.memory_space<hbm>>
    tpu.enqueue_indirect_dma source(%dma_start3A_61 : memref<100000x768xf32, #tpu.memory_space<hbm>>) target(%arg10 : memref<32x768xf32, #tpu.memory_space<vmem>>) offsets(%dma_start3A_58 : memref<32xi32, #tpu.memory_space<vmem>>) semaphore(%arg15 : memref<!tpu.dma_semaphore, #tpu.memory_space<semaphore_mem>>)
    %dma_start3A_62 = arith.constant 128 : i32
    %dma_start3A_63 = tpu.memref_slice %arg6[%dma_start3A_62] : memref<512xi32, #tpu.memory_space<vmem>> -> memref<32xi32, #tpu.memory_space<vmem>>
    %dma_start3A_64 = arith.constant 0 : i32
    %dma_start3A_65 = arith.constant 0 : i32
    %dma_start3A_66 = tpu.memref_slice %arg3[%dma_start3A_64, %dma_start3A_65] : memref<100000x768xf32, #tpu.memory_space<hbm>> -> memref<100000x768xf32, #tpu.memory_space<hbm>>
    tpu.enqueue_indirect_dma source(%dma_start3A_66 : memref<100000x768xf32, #tpu.memory_space<hbm>>) target(%arg11 : memref<32x768xf32, #tpu.memory_space<vmem>>) offsets(%dma_start3A_63 : memref<32xi32, #tpu.memory_space<vmem>>) semaphore(%arg16 : memref<!tpu.dma_semaphore, #tpu.memory_space<semaphore_mem>>)
    %dma_wait3A = arith.constant 256 : i32
    %dma_wait3A_67 = tpu.memref_slice %arg6[%dma_wait3A] : memref<512xi32, #tpu.memory_space<vmem>> -> memref<256xi32, #tpu.memory_space<vmem>>
    %dma_wait3A_68 = tpu.memref_slice %arg2[%select_n3A, %add3A_34] : memref<4x4096xi32, #tpu.memory_space<hbm>> -> memref<1x256xi32, #tpu.memory_space<hbm>>
    %dma_wait3A_69 = tpu.memref_squeeze %dma_wait3A_68 : memref<1x256xi32, #tpu.memory_space<hbm>> -> memref<256xi32, #tpu.memory_space<hbm>>
    %dma_wait3A_70 = arith.constant 256 : i32
    %dma_wait3A_71 = tpu.memref_slice %arg6[%dma_wait3A_70] : memref<512xi32, #tpu.memory_space<vmem>> -> memref<256xi32, #tpu.memory_space<vmem>>
    %dma_wait3A_72 = tpu.memref_slice %arg2[%select_n3A, %add3A_34] : memref<4x4096xi32, #tpu.memory_space<hbm>> -> memref<1x256xi32, #tpu.memory_space<hbm>>
    %dma_wait3A_73 = tpu.memref_squeeze %dma_wait3A_72 : memref<1x256xi32, #tpu.memory_space<hbm>> -> memref<256xi32, #tpu.memory_space<hbm>>
    tpu.wait_dma2 semaphore(%arg22 : memref<!tpu.dma_semaphore, #tpu.memory_space<semaphore_mem>>) src(%dma_wait3A_73 : memref<256xi32, #tpu.memory_space<hbm>>) dst(%dma_wait3A_71 : memref<256xi32, #tpu.memory_space<vmem>>)
    %dma_start3A_74 = tpu.memref_slice %arg5[%select_n3A, %mul3A_32] : memref<4x4096xi32, #tpu.memory_space<hbm>> -> memref<1x512xi32, #tpu.memory_space<hbm>>
    %dma_start3A_75 = tpu.memref_squeeze %dma_start3A_74 : memref<1x512xi32, #tpu.memory_space<hbm>> -> memref<512xi32, #tpu.memory_space<hbm>>
    %dma_start3A_76 = tpu.memref_slice %arg5[%select_n3A, %mul3A_32] : memref<4x4096xi32, #tpu.memory_space<hbm>> -> memref<1x512xi32, #tpu.memory_space<hbm>>
    %dma_start3A_77 = tpu.memref_squeeze %dma_start3A_76 : memref<1x512xi32, #tpu.memory_space<hbm>> -> memref<512xi32, #tpu.memory_space<hbm>>
    tpu.enqueue_dma source(%arg6 : memref<512xi32, #tpu.memory_space<vmem>>) target(%dma_start3A_77 : memref<512xi32, #tpu.memory_space<hbm>>) target_semaphore(%arg22 : memref<!tpu.dma_semaphore, #tpu.memory_space<semaphore_mem>>)
    %dma_wait3A_78 = arith.constant 0 : i32
    %dma_wait3A_79 = tpu.memref_slice %arg6[%dma_wait3A_78] : memref<512xi32, #tpu.memory_space<vmem>> -> memref<32xi32, #tpu.memory_space<vmem>>
    %dma_wait3A_80 = arith.constant 0 : i32
    %dma_wait3A_81 = arith.constant 0 : i32
    %dma_wait3A_82 = tpu.memref_slice %arg3[%dma_wait3A_80, %dma_wait3A_81] : memref<100000x768xf32, #tpu.memory_space<hbm>> -> memref<100000x768xf32, #tpu.memory_space<hbm>>
    tpu.wait_indirect_dma semaphore(%arg12 : memref<!tpu.dma_semaphore, #tpu.memory_space<semaphore_mem>>) src(%dma_wait3A_82 : memref<100000x768xf32, #tpu.memory_space<hbm>>) dst(%arg7 : memref<32x768xf32, #tpu.memory_space<vmem>>)
    %add3A_83 = arith.constant 0 : i32
    %add3A_84 = arith.addi %mul3A_32, %add3A_83 : i32
    %dma_start3A_85 = arith.constant 0 : i32
    %dma_start3A_86 = tpu.memref_slice %arg4[%select_n3A, %add3A_84, %dma_start3A_85] : memref<4x4096x768xf32, #tpu.memory_space<hbm>> -> memref<1x32x768xf32, #tpu.memory_space<hbm>>
    %dma_start3A_87 = tpu.memref_squeeze %dma_start3A_86 : memref<1x32x768xf32, #tpu.memory_space<hbm>> -> memref<32x768xf32, #tpu.memory_space<hbm>>
    %dma_start3A_88 = arith.constant 0 : i32
    %dma_start3A_89 = tpu.memref_slice %arg4[%select_n3A, %add3A_84, %dma_start3A_88] : memref<4x4096x768xf32, #tpu.memory_space<hbm>> -> memref<1x32x768xf32, #tpu.memory_space<hbm>>
    %dma_start3A_90 = tpu.memref_squeeze %dma_start3A_89 : memref<1x32x768xf32, #tpu.memory_space<hbm>> -> memref<32x768xf32, #tpu.memory_space<hbm>>
    tpu.enqueue_dma source(%arg7 : memref<32x768xf32, #tpu.memory_space<vmem>>) target(%dma_start3A_90 : memref<32x768xf32, #tpu.memory_space<hbm>>) target_semaphore(%arg17 : memref<!tpu.dma_semaphore, #tpu.memory_space<semaphore_mem>>)
    %dma_wait3A_91 = arith.constant 0 : i32
    %dma_wait3A_92 = tpu.memref_slice %arg4[%select_n3A, %add3A_84, %dma_wait3A_91] : memref<4x4096x768xf32, #tpu.memory_space<hbm>> -> memref<1x32x768xf32, #tpu.memory_space<hbm>>
    %dma_wait3A_93 = tpu.memref_squeeze %dma_wait3A_92 : memref<1x32x768xf32, #tpu.memory_space<hbm>> -> memref<32x768xf32, #tpu.memory_space<hbm>>
    %dma_wait3A_94 = arith.constant 0 : i32
    %dma_wait3A_95 = tpu.memref_slice %arg4[%select_n3A, %add3A_84, %dma_wait3A_94] : memref<4x4096x768xf32, #tpu.memory_space<hbm>> -> memref<1x32x768xf32, #tpu.memory_space<hbm>>
    %dma_wait3A_96 = tpu.memref_squeeze %dma_wait3A_95 : memref<1x32x768xf32, #tpu.memory_space<hbm>> -> memref<32x768xf32, #tpu.memory_space<hbm>>
    tpu.wait_dma2 semaphore(%arg17 : memref<!tpu.dma_semaphore, #tpu.memory_space<semaphore_mem>>) src(%arg7 : memref<32x768xf32, #tpu.memory_space<vmem>>) dst(%dma_wait3A_96 : memref<32x768xf32, #tpu.memory_space<hbm>>)
    %dma_start3A_97 = arith.constant 160 : i32
    %dma_start3A_98 = tpu.memref_slice %arg6[%dma_start3A_97] : memref<512xi32, #tpu.memory_space<vmem>> -> memref<32xi32, #tpu.memory_space<vmem>>
    %dma_start3A_99 = arith.constant 0 : i32
    %dma_start3A_100 = arith.constant 0 : i32
    %dma_start3A_101 = tpu.memref_slice %arg3[%dma_start3A_99, %dma_start3A_100] : memref<100000x768xf32, #tpu.memory_space<hbm>> -> memref<100000x768xf32, #tpu.memory_space<hbm>>
    tpu.enqueue_indirect_dma source(%dma_start3A_101 : memref<100000x768xf32, #tpu.memory_space<hbm>>) target(%arg7 : memref<32x768xf32, #tpu.memory_space<vmem>>) offsets(%dma_start3A_98 : memref<32xi32, #tpu.memory_space<vmem>>) semaphore(%arg12 : memref<!tpu.dma_semaphore, #tpu.memory_space<semaphore_mem>>)
    %dma_wait3A_102 = arith.constant 32 : i32
    %dma_wait3A_103 = tpu.memref_slice %arg6[%dma_wait3A_102] : memref<512xi32, #tpu.memory_space<vmem>> -> memref<32xi32, #tpu.memory_space<vmem>>
    %dma_wait3A_104 = arith.constant 0 : i32
    %dma_wait3A_105 = arith.constant 0 : i32
    %dma_wait3A_106 = tpu.memref_slice %arg3[%dma_wait3A_104, %dma_wait3A_105] : memref<100000x768xf32, #tpu.memory_space<hbm>> -> memref<100000x768xf32, #tpu.memory_space<hbm>>
    tpu.wait_indirect_dma semaphore(%arg13 : memref<!tpu.dma_semaphore, #tpu.memory_space<semaphore_mem>>) src(%dma_wait3A_106 : memref<100000x768xf32, #tpu.memory_space<hbm>>) dst(%arg8 : memref<32x768xf32, #tpu.memory_space<vmem>>)
    %add3A_107 = arith.constant 32 : i32
    %add3A_108 = arith.addi %mul3A_32, %add3A_107 : i32
    %dma_start3A_109 = arith.constant 0 : i32
    %dma_start3A_110 = tpu.memref_slice %arg4[%select_n3A, %add3A_108, %dma_start3A_109] : memref<4x4096x768xf32, #tpu.memory_space<hbm>> -> memref<1x32x768xf32, #tpu.memory_space<hbm>>
    %dma_start3A_111 = tpu.memref_squeeze %dma_start3A_110 : memref<1x32x768xf32, #tpu.memory_space<hbm>> -> memref<32x768xf32, #tpu.memory_space<hbm>>
    %dma_start3A_112 = arith.constant 0 : i32
    %dma_start3A_113 = tpu.memref_slice %arg4[%select_n3A, %add3A_108, %dma_start3A_112] : memref<4x4096x768xf32, #tpu.memory_space<hbm>> -> memref<1x32x768xf32, #tpu.memory_space<hbm>>
    %dma_start3A_114 = tpu.memref_squeeze %dma_start3A_113 : memref<1x32x768xf32, #tpu.memory_space<hbm>> -> memref<32x768xf32, #tpu.memory_space<hbm>>
    tpu.enqueue_dma source(%arg8 : memref<32x768xf32, #tpu.memory_space<vmem>>) target(%dma_start3A_114 : memref<32x768xf32, #tpu.memory_space<hbm>>) target_semaphore(%arg18 : memref<!tpu.dma_semaphore, #tpu.memory_space<semaphore_mem>>)
    %dma_wait3A_115 = arith.constant 0 : i32
    %dma_wait3A_116 = tpu.memref_slice %arg4[%select_n3A, %add3A_108, %dma_wait3A_115] : memref<4x4096x768xf32, #tpu.memory_space<hbm>> -> memref<1x32x768xf32, #tpu.memory_space<hbm>>
    %dma_wait3A_117 = tpu.memref_squeeze %dma_wait3A_116 : memref<1x32x768xf32, #tpu.memory_space<hbm>> -> memref<32x768xf32, #tpu.memory_space<hbm>>
    %dma_wait3A_118 = arith.constant 0 : i32
    %dma_wait3A_119 = tpu.memref_slice %arg4[%select_n3A, %add3A_108, %dma_wait3A_118] : memref<4x4096x768xf32, #tpu.memory_space<hbm>> -> memref<1x32x768xf32, #tpu.memory_space<hbm>>
    %dma_wait3A_120 = tpu.memref_squeeze %dma_wait3A_119 : memref<1x32x768xf32, #tpu.memory_space<hbm>> -> memref<32x768xf32, #tpu.memory_space<hbm>>
    tpu.wait_dma2 semaphore(%arg18 : memref<!tpu.dma_semaphore, #tpu.memory_space<semaphore_mem>>) src(%arg8 : memref<32x768xf32, #tpu.memory_space<vmem>>) dst(%dma_wait3A_120 : memref<32x768xf32, #tpu.memory_space<hbm>>)
    %dma_start3A_121 = arith.constant 192 : i32
    %dma_start3A_122 = tpu.memref_slice %arg6[%dma_start3A_121] : memref<512xi32, #tpu.memory_space<vmem>> -> memref<32xi32, #tpu.memory_space<vmem>>
    %dma_start3A_123 = arith.constant 0 : i32
    %dma_start3A_124 = arith.constant 0 : i32
    %dma_start3A_125 = tpu.memref_slice %arg3[%dma_start3A_123, %dma_start3A_124] : memref<100000x768xf32, #tpu.memory_space<hbm>> -> memref<100000x768xf32, #tpu.memory_space<hbm>>
    tpu.enqueue_indirect_dma source(%dma_start3A_125 : memref<100000x768xf32, #tpu.memory_space<hbm>>) target(%arg8 : memref<32x768xf32, #tpu.memory_space<vmem>>) offsets(%dma_start3A_122 : memref<32xi32, #tpu.memory_space<vmem>>) semaphore(%arg13 : memref<!tpu.dma_semaphore, #tpu.memory_space<semaphore_mem>>)
    %dma_wait3A_126 = arith.constant 64 : i32
    %dma_wait3A_127 = tpu.memref_slice %arg6[%dma_wait3A_126] : memref<512xi32, #tpu.memory_space<vmem>> -> memref<32xi32, #tpu.memory_space<vmem>>
    %dma_wait3A_128 = arith.constant 0 : i32
    %dma_wait3A_129 = arith.constant 0 : i32
    %dma_wait3A_130 = tpu.memref_slice %arg3[%dma_wait3A_128, %dma_wait3A_129] : memref<100000x768xf32, #tpu.memory_space<hbm>> -> memref<100000x768xf32, #tpu.memory_space<hbm>>
    tpu.wait_indirect_dma semaphore(%arg14 : memref<!tpu.dma_semaphore, #tpu.memory_space<semaphore_mem>>) src(%dma_wait3A_130 : memref<100000x768xf32, #tpu.memory_space<hbm>>) dst(%arg9 : memref<32x768xf32, #tpu.memory_space<vmem>>)
    %add3A_131 = arith.constant 64 : i32
    %add3A_132 = arith.addi %mul3A_32, %add3A_131 : i32
    %dma_start3A_133 = arith.constant 0 : i32
    %dma_start3A_134 = tpu.memref_slice %arg4[%select_n3A, %add3A_132, %dma_start3A_133] : memref<4x4096x768xf32, #tpu.memory_space<hbm>> -> memref<1x32x768xf32, #tpu.memory_space<hbm>>
    %dma_start3A_135 = tpu.memref_squeeze %dma_start3A_134 : memref<1x32x768xf32, #tpu.memory_space<hbm>> -> memref<32x768xf32, #tpu.memory_space<hbm>>
    %dma_start3A_136 = arith.constant 0 : i32
    %dma_start3A_137 = tpu.memref_slice %arg4[%select_n3A, %add3A_132, %dma_start3A_136] : memref<4x4096x768xf32, #tpu.memory_space<hbm>> -> memref<1x32x768xf32, #tpu.memory_space<hbm>>
    %dma_start3A_138 = tpu.memref_squeeze %dma_start3A_137 : memref<1x32x768xf32, #tpu.memory_space<hbm>> -> memref<32x768xf32, #tpu.memory_space<hbm>>
    tpu.enqueue_dma source(%arg9 : memref<32x768xf32, #tpu.memory_space<vmem>>) target(%dma_start3A_138 : memref<32x768xf32, #tpu.memory_space<hbm>>) target_semaphore(%arg19 : memref<!tpu.dma_semaphore, #tpu.memory_space<semaphore_mem>>)
    %dma_wait3A_139 = arith.constant 0 : i32
    %dma_wait3A_140 = tpu.memref_slice %arg4[%select_n3A, %add3A_132, %dma_wait3A_139] : memref<4x4096x768xf32, #tpu.memory_space<hbm>> -> memref<1x32x768xf32, #tpu.memory_space<hbm>>
    %dma_wait3A_141 = tpu.memref_squeeze %dma_wait3A_140 : memref<1x32x768xf32, #tpu.memory_space<hbm>> -> memref<32x768xf32, #tpu.memory_space<hbm>>
    %dma_wait3A_142 = arith.constant 0 : i32
    %dma_wait3A_143 = tpu.memref_slice %arg4[%select_n3A, %add3A_132, %dma_wait3A_142] : memref<4x4096x768xf32, #tpu.memory_space<hbm>> -> memref<1x32x768xf32, #tpu.memory_space<hbm>>
    %dma_wait3A_144 = tpu.memref_squeeze %dma_wait3A_143 : memref<1x32x768xf32, #tpu.memory_space<hbm>> -> memref<32x768xf32, #tpu.memory_space<hbm>>
    tpu.wait_dma2 semaphore(%arg19 : memref<!tpu.dma_semaphore, #tpu.memory_space<semaphore_mem>>) src(%arg9 : memref<32x768xf32, #tpu.memory_space<vmem>>) dst(%dma_wait3A_144 : memref<32x768xf32, #tpu.memory_space<hbm>>)
    %dma_start3A_145 = arith.constant 224 : i32
    %dma_start3A_146 = tpu.memref_slice %arg6[%dma_start3A_145] : memref<512xi32, #tpu.memory_space<vmem>> -> memref<32xi32, #tpu.memory_space<vmem>>
    %dma_start3A_147 = arith.constant 0 : i32
    %dma_start3A_148 = arith.constant 0 : i32
    %dma_start3A_149 = tpu.memref_slice %arg3[%dma_start3A_147, %dma_start3A_148] : memref<100000x768xf32, #tpu.memory_space<hbm>> -> memref<100000x768xf32, #tpu.memory_space<hbm>>
    tpu.enqueue_indirect_dma source(%dma_start3A_149 : memref<100000x768xf32, #tpu.memory_space<hbm>>) target(%arg9 : memref<32x768xf32, #tpu.memory_space<vmem>>) offsets(%dma_start3A_146 : memref<32xi32, #tpu.memory_space<vmem>>) semaphore(%arg14 : memref<!tpu.dma_semaphore, #tpu.memory_space<semaphore_mem>>)
    %dma_wait3A_150 = arith.constant 96 : i32
    %dma_wait3A_151 = tpu.memref_slice %arg6[%dma_wait3A_150] : memref<512xi32, #tpu.memory_space<vmem>> -> memref<32xi32, #tpu.memory_space<vmem>>
    %dma_wait3A_152 = arith.constant 0 : i32
    %dma_wait3A_153 = arith.constant 0 : i32
    %dma_wait3A_154 = tpu.memref_slice %arg3[%dma_wait3A_152, %dma_wait3A_153] : memref<100000x768xf32, #tpu.memory_space<hbm>> -> memref<100000x768xf32, #tpu.memory_space<hbm>>
    tpu.wait_indirect_dma semaphore(%arg15 : memref<!tpu.dma_semaphore, #tpu.memory_space<semaphore_mem>>) src(%dma_wait3A_154 : memref<100000x768xf32, #tpu.memory_space<hbm>>) dst(%arg10 : memref<32x768xf32, #tpu.memory_space<vmem>>)
    %add3A_155 = arith.constant 96 : i32
    %add3A_156 = arith.addi %mul3A_32, %add3A_155 : i32
    %dma_start3A_157 = arith.constant 0 : i32
    %dma_start3A_158 = tpu.memref_slice %arg4[%select_n3A, %add3A_156, %dma_start3A_157] : memref<4x4096x768xf32, #tpu.memory_space<hbm>> -> memref<1x32x768xf32, #tpu.memory_space<hbm>>
    %dma_start3A_159 = tpu.memref_squeeze %dma_start3A_158 : memref<1x32x768xf32, #tpu.memory_space<hbm>> -> memref<32x768xf32, #tpu.memory_space<hbm>>
    %dma_start3A_160 = arith.constant 0 : i32
    %dma_start3A_161 = tpu.memref_slice %arg4[%select_n3A, %add3A_156, %dma_start3A_160] : memref<4x4096x768xf32, #tpu.memory_space<hbm>> -> memref<1x32x768xf32, #tpu.memory_space<hbm>>
    %dma_start3A_162 = tpu.memref_squeeze %dma_start3A_161 : memref<1x32x768xf32, #tpu.memory_space<hbm>> -> memref<32x768xf32, #tpu.memory_space<hbm>>
    tpu.enqueue_dma source(%arg10 : memref<32x768xf32, #tpu.memory_space<vmem>>) target(%dma_start3A_162 : memref<32x768xf32, #tpu.memory_space<hbm>>) target_semaphore(%arg20 : memref<!tpu.dma_semaphore, #tpu.memory_space<semaphore_mem>>)
    %dma_wait3A_163 = arith.constant 0 : i32
    %dma_wait3A_164 = tpu.memref_slice %arg4[%select_n3A, %add3A_156, %dma_wait3A_163] : memref<4x4096x768xf32, #tpu.memory_space<hbm>> -> memref<1x32x768xf32, #tpu.memory_space<hbm>>
    %dma_wait3A_165 = tpu.memref_squeeze %dma_wait3A_164 : memref<1x32x768xf32, #tpu.memory_space<hbm>> -> memref<32x768xf32, #tpu.memory_space<hbm>>
    %dma_wait3A_166 = arith.constant 0 : i32
    %dma_wait3A_167 = tpu.memref_slice %arg4[%select_n3A, %add3A_156, %dma_wait3A_166] : memref<4x4096x768xf32, #tpu.memory_space<hbm>> -> memref<1x32x768xf32, #tpu.memory_space<hbm>>
    %dma_wait3A_168 = tpu.memref_squeeze %dma_wait3A_167 : memref<1x32x768xf32, #tpu.memory_space<hbm>> -> memref<32x768xf32, #tpu.memory_space<hbm>>
    tpu.wait_dma2 semaphore(%arg20 : memref<!tpu.dma_semaphore, #tpu.memory_space<semaphore_mem>>) src(%arg10 : memref<32x768xf32, #tpu.memory_space<vmem>>) dst(%dma_wait3A_168 : memref<32x768xf32, #tpu.memory_space<hbm>>)
    %dma_start3A_169 = arith.constant 256 : i32
    %dma_start3A_170 = tpu.memref_slice %arg6[%dma_start3A_169] : memref<512xi32, #tpu.memory_space<vmem>> -> memref<32xi32, #tpu.memory_space<vmem>>
    %dma_start3A_171 = arith.constant 0 : i32
    %dma_start3A_172 = arith.constant 0 : i32
    %dma_start3A_173 = tpu.memref_slice %arg3[%dma_start3A_171, %dma_start3A_172] : memref<100000x768xf32, #tpu.memory_space<hbm>> -> memref<100000x768xf32, #tpu.memory_space<hbm>>
    tpu.enqueue_indirect_dma source(%dma_start3A_173 : memref<100000x768xf32, #tpu.memory_space<hbm>>) target(%arg10 : memref<32x768xf32, #tpu.memory_space<vmem>>) offsets(%dma_start3A_170 : memref<32xi32, #tpu.memory_space<vmem>>) semaphore(%arg15 : memref<!tpu.dma_semaphore, #tpu.memory_space<semaphore_mem>>)
    %dma_wait3A_174 = arith.constant 128 : i32
    %dma_wait3A_175 = tpu.memref_slice %arg6[%dma_wait3A_174] : memref<512xi32, #tpu.memory_space<vmem>> -> memref<32xi32, #tpu.memory_space<vmem>>
    %dma_wait3A_176 = arith.constant 0 : i32
    %dma_wait3A_177 = arith.constant 0 : i32
    %dma_wait3A_178 = tpu.memref_slice %arg3[%dma_wait3A_176, %dma_wait3A_177] : memref<100000x768xf32, #tpu.memory_space<hbm>> -> memref<100000x768xf32, #tpu.memory_space<hbm>>
    tpu.wait_indirect_dma semaphore(%arg16 : memref<!tpu.dma_semaphore, #tpu.memory_space<semaphore_mem>>) src(%dma_wait3A_178 : memref<100000x768xf32, #tpu.memory_space<hbm>>) dst(%arg11 : memref<32x768xf32, #tpu.memory_space<vmem>>)
    %add3A_179 = arith.constant 128 : i32
    %add3A_180 = arith.addi %mul3A_32, %add3A_179 : i32
    %dma_start3A_181 = arith.constant 0 : i32
    %dma_start3A_182 = tpu.memref_slice %arg4[%select_n3A, %add3A_180, %dma_start3A_181] : memref<4x4096x768xf32, #tpu.memory_space<hbm>> -> memref<1x32x768xf32, #tpu.memory_space<hbm>>
    %dma_start3A_183 = tpu.memref_squeeze %dma_start3A_182 : memref<1x32x768xf32, #tpu.memory_space<hbm>> -> memref<32x768xf32, #tpu.memory_space<hbm>>
    %dma_start3A_184 = arith.constant 0 : i32
    %dma_start3A_185 = tpu.memref_slice %arg4[%select_n3A, %add3A_180, %dma_start3A_184] : memref<4x4096x768xf32, #tpu.memory_space<hbm>> -> memref<1x32x768xf32, #tpu.memory_space<hbm>>
    %dma_start3A_186 = tpu.memref_squeeze %dma_start3A_185 : memref<1x32x768xf32, #tpu.memory_space<hbm>> -> memref<32x768xf32, #tpu.memory_space<hbm>>
    tpu.enqueue_dma source(%arg11 : memref<32x768xf32, #tpu.memory_space<vmem>>) target(%dma_start3A_186 : memref<32x768xf32, #tpu.memory_space<hbm>>) target_semaphore(%arg21 : memref<!tpu.dma_semaphore, #tpu.memory_space<semaphore_mem>>)
    %dma_wait3A_187 = arith.constant 0 : i32
    %dma_wait3A_188 = tpu.memref_slice %arg4[%select_n3A, %add3A_180, %dma_wait3A_187] : memref<4x4096x768xf32, #tpu.memory_space<hbm>> -> memref<1x32x768xf32, #tpu.memory_space<hbm>>
    %dma_wait3A_189 = tpu.memref_squeeze %dma_wait3A_188 : memref<1x32x768xf32, #tpu.memory_space<hbm>> -> memref<32x768xf32, #tpu.memory_space<hbm>>
    %dma_wait3A_190 = arith.constant 0 : i32
    %dma_wait3A_191 = tpu.memref_slice %arg4[%select_n3A, %add3A_180, %dma_wait3A_190] : memref<4x4096x768xf32, #tpu.memory_space<hbm>> -> memref<1x32x768xf32, #tpu.memory_space<hbm>>
    %dma_wait3A_192 = tpu.memref_squeeze %dma_wait3A_191 : memref<1x32x768xf32, #tpu.memory_space<hbm>> -> memref<32x768xf32, #tpu.memory_space<hbm>>
    tpu.wait_dma2 semaphore(%arg21 : memref<!tpu.dma_semaphore, #tpu.memory_space<semaphore_mem>>) src(%arg11 : memref<32x768xf32, #tpu.memory_space<vmem>>) dst(%dma_wait3A_192 : memref<32x768xf32, #tpu.memory_space<hbm>>)
    %dma_start3A_193 = arith.constant 288 : i32
    %dma_start3A_194 = tpu.memref_slice %arg6[%dma_start3A_193] : memref<512xi32, #tpu.memory_space<vmem>> -> memref<32xi32, #tpu.memory_space<vmem>>
    %dma_start3A_195 = arith.constant 0 : i32
    %dma_start3A_196 = arith.constant 0 : i32
    %dma_start3A_197 = tpu.memref_slice %arg3[%dma_start3A_195, %dma_start3A_196] : memref<100000x768xf32, #tpu.memory_space<hbm>> -> memref<100000x768xf32, #tpu.memory_space<hbm>>
    tpu.enqueue_indirect_dma source(%dma_start3A_197 : memref<100000x768xf32, #tpu.memory_space<hbm>>) target(%arg11 : memref<32x768xf32, #tpu.memory_space<vmem>>) offsets(%dma_start3A_194 : memref<32xi32, #tpu.memory_space<vmem>>) semaphore(%arg16 : memref<!tpu.dma_semaphore, #tpu.memory_space<semaphore_mem>>)
    %dma_wait3A_198 = arith.constant 160 : i32
    %dma_wait3A_199 = tpu.memref_slice %arg6[%dma_wait3A_198] : memref<512xi32, #tpu.memory_space<vmem>> -> memref<32xi32, #tpu.memory_space<vmem>>
    %dma_wait3A_200 = arith.constant 0 : i32
    %dma_wait3A_201 = arith.constant 0 : i32
    %dma_wait3A_202 = tpu.memref_slice %arg3[%dma_wait3A_200, %dma_wait3A_201] : memref<100000x768xf32, #tpu.memory_space<hbm>> -> memref<100000x768xf32, #tpu.memory_space<hbm>>
    tpu.wait_indirect_dma semaphore(%arg12 : memref<!tpu.dma_semaphore, #tpu.memory_space<semaphore_mem>>) src(%dma_wait3A_202 : memref<100000x768xf32, #tpu.memory_space<hbm>>) dst(%arg7 : memref<32x768xf32, #tpu.memory_space<vmem>>)
    %add3A_203 = arith.constant 160 : i32
    %add3A_204 = arith.addi %mul3A_32, %add3A_203 : i32
    %dma_start3A_205 = arith.constant 0 : i32
    %dma_start3A_206 = tpu.memref_slice %arg4[%select_n3A, %add3A_204, %dma_start3A_205] : memref<4x4096x768xf32, #tpu.memory_space<hbm>> -> memref<1x32x768xf32, #tpu.memory_space<hbm>>
    %dma_start3A_207 = tpu.memref_squeeze %dma_start3A_206 : memref<1x32x768xf32, #tpu.memory_space<hbm>> -> memref<32x768xf32, #tpu.memory_space<hbm>>
    %dma_start3A_208 = arith.constant 0 : i32
    %dma_start3A_209 = tpu.memref_slice %arg4[%select_n3A, %add3A_204, %dma_start3A_208] : memref<4x4096x768xf32, #tpu.memory_space<hbm>> -> memref<1x32x768xf32, #tpu.memory_space<hbm>>
    %dma_start3A_210 = tpu.memref_squeeze %dma_start3A_209 : memref<1x32x768xf32, #tpu.memory_space<hbm>> -> memref<32x768xf32, #tpu.memory_space<hbm>>
    tpu.enqueue_dma source(%arg7 : memref<32x768xf32, #tpu.memory_space<vmem>>) target(%dma_start3A_210 : memref<32x768xf32, #tpu.memory_space<hbm>>) target_semaphore(%arg17 : memref<!tpu.dma_semaphore, #tpu.memory_space<semaphore_mem>>)
    %dma_wait3A_211 = arith.constant 0 : i32
    %dma_wait3A_212 = tpu.memref_slice %arg4[%select_n3A, %add3A_204, %dma_wait3A_211] : memref<4x4096x768xf32, #tpu.memory_space<hbm>> -> memref<1x32x768xf32, #tpu.memory_space<hbm>>
    %dma_wait3A_213 = tpu.memref_squeeze %dma_wait3A_212 : memref<1x32x768xf32, #tpu.memory_space<hbm>> -> memref<32x768xf32, #tpu.memory_space<hbm>>
    %dma_wait3A_214 = arith.constant 0 : i32
    %dma_wait3A_215 = tpu.memref_slice %arg4[%select_n3A, %add3A_204, %dma_wait3A_214] : memref<4x4096x768xf32, #tpu.memory_space<hbm>> -> memref<1x32x768xf32, #tpu.memory_space<hbm>>
    %dma_wait3A_216 = tpu.memref_squeeze %dma_wait3A_215 : memref<1x32x768xf32, #tpu.memory_space<hbm>> -> memref<32x768xf32, #tpu.memory_space<hbm>>
    tpu.wait_dma2 semaphore(%arg17 : memref<!tpu.dma_semaphore, #tpu.memory_space<semaphore_mem>>) src(%arg7 : memref<32x768xf32, #tpu.memory_space<vmem>>) dst(%dma_wait3A_216 : memref<32x768xf32, #tpu.memory_space<hbm>>)
    %dma_start3A_217 = arith.constant 320 : i32
    %dma_start3A_218 = tpu.memref_slice %arg6[%dma_start3A_217] : memref<512xi32, #tpu.memory_space<vmem>> -> memref<32xi32, #tpu.memory_space<vmem>>
    %dma_start3A_219 = arith.constant 0 : i32
    %dma_start3A_220 = arith.constant 0 : i32
    %dma_start3A_221 = tpu.memref_slice %arg3[%dma_start3A_219, %dma_start3A_220] : memref<100000x768xf32, #tpu.memory_space<hbm>> -> memref<100000x768xf32, #tpu.memory_space<hbm>>
    tpu.enqueue_indirect_dma source(%dma_start3A_221 : memref<100000x768xf32, #tpu.memory_space<hbm>>) target(%arg7 : memref<32x768xf32, #tpu.memory_space<vmem>>) offsets(%dma_start3A_218 : memref<32xi32, #tpu.memory_space<vmem>>) semaphore(%arg12 : memref<!tpu.dma_semaphore, #tpu.memory_space<semaphore_mem>>)
    %dma_wait3A_222 = arith.constant 192 : i32
    %dma_wait3A_223 = tpu.memref_slice %arg6[%dma_wait3A_222] : memref<512xi32, #tpu.memory_space<vmem>> -> memref<32xi32, #tpu.memory_space<vmem>>
    %dma_wait3A_224 = arith.constant 0 : i32
    %dma_wait3A_225 = arith.constant 0 : i32
    %dma_wait3A_226 = tpu.memref_slice %arg3[%dma_wait3A_224, %dma_wait3A_225] : memref<100000x768xf32, #tpu.memory_space<hbm>> -> memref<100000x768xf32, #tpu.memory_space<hbm>>
    tpu.wait_indirect_dma semaphore(%arg13 : memref<!tpu.dma_semaphore, #tpu.memory_space<semaphore_mem>>) src(%dma_wait3A_226 : memref<100000x768xf32, #tpu.memory_space<hbm>>) dst(%arg8 : memref<32x768xf32, #tpu.memory_space<vmem>>)
    %add3A_227 = arith.constant 192 : i32
    %add3A_228 = arith.addi %mul3A_32, %add3A_227 : i32
    %dma_start3A_229 = arith.constant 0 : i32
    %dma_start3A_230 = tpu.memref_slice %arg4[%select_n3A, %add3A_228, %dma_start3A_229] : memref<4x4096x768xf32, #tpu.memory_space<hbm>> -> memref<1x32x768xf32, #tpu.memory_space<hbm>>
    %dma_start3A_231 = tpu.memref_squeeze %dma_start3A_230 : memref<1x32x768xf32, #tpu.memory_space<hbm>> -> memref<32x768xf32, #tpu.memory_space<hbm>>
    %dma_start3A_232 = arith.constant 0 : i32
    %dma_start3A_233 = tpu.memref_slice %arg4[%select_n3A, %add3A_228, %dma_start3A_232] : memref<4x4096x768xf32, #tpu.memory_space<hbm>> -> memref<1x32x768xf32, #tpu.memory_space<hbm>>
    %dma_start3A_234 = tpu.memref_squeeze %dma_start3A_233 : memref<1x32x768xf32, #tpu.memory_space<hbm>> -> memref<32x768xf32, #tpu.memory_space<hbm>>
    tpu.enqueue_dma source(%arg8 : memref<32x768xf32, #tpu.memory_space<vmem>>) target(%dma_start3A_234 : memref<32x768xf32, #tpu.memory_space<hbm>>) target_semaphore(%arg18 : memref<!tpu.dma_semaphore, #tpu.memory_space<semaphore_mem>>)
    %dma_wait3A_235 = arith.constant 0 : i32
    %dma_wait3A_236 = tpu.memref_slice %arg4[%select_n3A, %add3A_228, %dma_wait3A_235] : memref<4x4096x768xf32, #tpu.memory_space<hbm>> -> memref<1x32x768xf32, #tpu.memory_space<hbm>>
    %dma_wait3A_237 = tpu.memref_squeeze %dma_wait3A_236 : memref<1x32x768xf32, #tpu.memory_space<hbm>> -> memref<32x768xf32, #tpu.memory_space<hbm>>
    %dma_wait3A_238 = arith.constant 0 : i32
    %dma_wait3A_239 = tpu.memref_slice %arg4[%select_n3A, %add3A_228, %dma_wait3A_238] : memref<4x4096x768xf32, #tpu.memory_space<hbm>> -> memref<1x32x768xf32, #tpu.memory_space<hbm>>
    %dma_wait3A_240 = tpu.memref_squeeze %dma_wait3A_239 : memref<1x32x768xf32, #tpu.memory_space<hbm>> -> memref<32x768xf32, #tpu.memory_space<hbm>>
    tpu.wait_dma2 semaphore(%arg18 : memref<!tpu.dma_semaphore, #tpu.memory_space<semaphore_mem>>) src(%arg8 : memref<32x768xf32, #tpu.memory_space<vmem>>) dst(%dma_wait3A_240 : memref<32x768xf32, #tpu.memory_space<hbm>>)
    %dma_start3A_241 = arith.constant 352 : i32
    %dma_start3A_242 = tpu.memref_slice %arg6[%dma_start3A_241] : memref<512xi32, #tpu.memory_space<vmem>> -> memref<32xi32, #tpu.memory_space<vmem>>
    %dma_start3A_243 = arith.constant 0 : i32
    %dma_start3A_244 = arith.constant 0 : i32
    %dma_start3A_245 = tpu.memref_slice %arg3[%dma_start3A_243, %dma_start3A_244] : memref<100000x768xf32, #tpu.memory_space<hbm>> -> memref<100000x768xf32, #tpu.memory_space<hbm>>
    tpu.enqueue_indirect_dma source(%dma_start3A_245 : memref<100000x768xf32, #tpu.memory_space<hbm>>) target(%arg8 : memref<32x768xf32, #tpu.memory_space<vmem>>) offsets(%dma_start3A_242 : memref<32xi32, #tpu.memory_space<vmem>>) semaphore(%arg13 : memref<!tpu.dma_semaphore, #tpu.memory_space<semaphore_mem>>)
    %dma_wait3A_246 = arith.constant 224 : i32
    %dma_wait3A_247 = tpu.memref_slice %arg6[%dma_wait3A_246] : memref<512xi32, #tpu.memory_space<vmem>> -> memref<32xi32, #tpu.memory_space<vmem>>
    %dma_wait3A_248 = arith.constant 0 : i32
    %dma_wait3A_249 = arith.constant 0 : i32
    %dma_wait3A_250 = tpu.memref_slice %arg3[%dma_wait3A_248, %dma_wait3A_249] : memref<100000x768xf32, #tpu.memory_space<hbm>> -> memref<100000x768xf32, #tpu.memory_space<hbm>>
    tpu.wait_indirect_dma semaphore(%arg14 : memref<!tpu.dma_semaphore, #tpu.memory_space<semaphore_mem>>) src(%dma_wait3A_250 : memref<100000x768xf32, #tpu.memory_space<hbm>>) dst(%arg9 : memref<32x768xf32, #tpu.memory_space<vmem>>)
    %add3A_251 = arith.constant 224 : i32
    %add3A_252 = arith.addi %mul3A_32, %add3A_251 : i32
    %dma_start3A_253 = arith.constant 0 : i32
    %dma_start3A_254 = tpu.memref_slice %arg4[%select_n3A, %add3A_252, %dma_start3A_253] : memref<4x4096x768xf32, #tpu.memory_space<hbm>> -> memref<1x32x768xf32, #tpu.memory_space<hbm>>
    %dma_start3A_255 = tpu.memref_squeeze %dma_start3A_254 : memref<1x32x768xf32, #tpu.memory_space<hbm>> -> memref<32x768xf32, #tpu.memory_space<hbm>>
    %dma_start3A_256 = arith.constant 0 : i32
    %dma_start3A_257 = tpu.memref_slice %arg4[%select_n3A, %add3A_252, %dma_start3A_256] : memref<4x4096x768xf32, #tpu.memory_space<hbm>> -> memref<1x32x768xf32, #tpu.memory_space<hbm>>
    %dma_start3A_258 = tpu.memref_squeeze %dma_start3A_257 : memref<1x32x768xf32, #tpu.memory_space<hbm>> -> memref<32x768xf32, #tpu.memory_space<hbm>>
    tpu.enqueue_dma source(%arg9 : memref<32x768xf32, #tpu.memory_space<vmem>>) target(%dma_start3A_258 : memref<32x768xf32, #tpu.memory_space<hbm>>) target_semaphore(%arg19 : memref<!tpu.dma_semaphore, #tpu.memory_space<semaphore_mem>>)
    %dma_wait3A_259 = arith.constant 0 : i32
    %dma_wait3A_260 = tpu.memref_slice %arg4[%select_n3A, %add3A_252, %dma_wait3A_259] : memref<4x4096x768xf32, #tpu.memory_space<hbm>> -> memref<1x32x768xf32, #tpu.memory_space<hbm>>
    %dma_wait3A_261 = tpu.memref_squeeze %dma_wait3A_260 : memref<1x32x768xf32, #tpu.memory_space<hbm>> -> memref<32x768xf32, #tpu.memory_space<hbm>>
    %dma_wait3A_262 = arith.constant 0 : i32
    %dma_wait3A_263 = tpu.memref_slice %arg4[%select_n3A, %add3A_252, %dma_wait3A_262] : memref<4x4096x768xf32, #tpu.memory_space<hbm>> -> memref<1x32x768xf32, #tpu.memory_space<hbm>>
    %dma_wait3A_264 = tpu.memref_squeeze %dma_wait3A_263 : memref<1x32x768xf32, #tpu.memory_space<hbm>> -> memref<32x768xf32, #tpu.memory_space<hbm>>
    tpu.wait_dma2 semaphore(%arg19 : memref<!tpu.dma_semaphore, #tpu.memory_space<semaphore_mem>>) src(%arg9 : memref<32x768xf32, #tpu.memory_space<vmem>>) dst(%dma_wait3A_264 : memref<32x768xf32, #tpu.memory_space<hbm>>)
    %dma_start3A_265 = arith.constant 384 : i32
    %dma_start3A_266 = tpu.memref_slice %arg6[%dma_start3A_265] : memref<512xi32, #tpu.memory_space<vmem>> -> memref<32xi32, #tpu.memory_space<vmem>>
    %dma_start3A_267 = arith.constant 0 : i32
    %dma_start3A_268 = arith.constant 0 : i32
    %dma_start3A_269 = tpu.memref_slice %arg3[%dma_start3A_267, %dma_start3A_268] : memref<100000x768xf32, #tpu.memory_space<hbm>> -> memref<100000x768xf32, #tpu.memory_space<hbm>>
    tpu.enqueue_indirect_dma source(%dma_start3A_269 : memref<100000x768xf32, #tpu.memory_space<hbm>>) target(%arg9 : memref<32x768xf32, #tpu.memory_space<vmem>>) offsets(%dma_start3A_266 : memref<32xi32, #tpu.memory_space<vmem>>) semaphore(%arg14 : memref<!tpu.dma_semaphore, #tpu.memory_space<semaphore_mem>>)
    %dma_wait3A_270 = arith.constant 256 : i32
    %dma_wait3A_271 = tpu.memref_slice %arg6[%dma_wait3A_270] : memref<512xi32, #tpu.memory_space<vmem>> -> memref<32xi32, #tpu.memory_space<vmem>>
    %dma_wait3A_272 = arith.constant 0 : i32
    %dma_wait3A_273 = arith.constant 0 : i32
    %dma_wait3A_274 = tpu.memref_slice %arg3[%dma_wait3A_272, %dma_wait3A_273] : memref<100000x768xf32, #tpu.memory_space<hbm>> -> memref<100000x768xf32, #tpu.memory_space<hbm>>
    tpu.wait_indirect_dma semaphore(%arg15 : memref<!tpu.dma_semaphore, #tpu.memory_space<semaphore_mem>>) src(%dma_wait3A_274 : memref<100000x768xf32, #tpu.memory_space<hbm>>) dst(%arg10 : memref<32x768xf32, #tpu.memory_space<vmem>>)
    %add3A_275 = arith.constant 256 : i32
    %add3A_276 = arith.addi %mul3A_32, %add3A_275 : i32
    %dma_start3A_277 = arith.constant 0 : i32
    %dma_start3A_278 = tpu.memref_slice %arg4[%select_n3A, %add3A_276, %dma_start3A_277] : memref<4x4096x768xf32, #tpu.memory_space<hbm>> -> memref<1x32x768xf32, #tpu.memory_space<hbm>>
    %dma_start3A_279 = tpu.memref_squeeze %dma_start3A_278 : memref<1x32x768xf32, #tpu.memory_space<hbm>> -> memref<32x768xf32, #tpu.memory_space<hbm>>
    %dma_start3A_280 = arith.constant 0 : i32
    %dma_start3A_281 = tpu.memref_slice %arg4[%select_n3A, %add3A_276, %dma_start3A_280] : memref<4x4096x768xf32, #tpu.memory_space<hbm>> -> memref<1x32x768xf32, #tpu.memory_space<hbm>>
    %dma_start3A_282 = tpu.memref_squeeze %dma_start3A_281 : memref<1x32x768xf32, #tpu.memory_space<hbm>> -> memref<32x768xf32, #tpu.memory_space<hbm>>
    tpu.enqueue_dma source(%arg10 : memref<32x768xf32, #tpu.memory_space<vmem>>) target(%dma_start3A_282 : memref<32x768xf32, #tpu.memory_space<hbm>>) target_semaphore(%arg20 : memref<!tpu.dma_semaphore, #tpu.memory_space<semaphore_mem>>)
    %dma_wait3A_283 = arith.constant 0 : i32
    %dma_wait3A_284 = tpu.memref_slice %arg4[%select_n3A, %add3A_276, %dma_wait3A_283] : memref<4x4096x768xf32, #tpu.memory_space<hbm>> -> memref<1x32x768xf32, #tpu.memory_space<hbm>>
    %dma_wait3A_285 = tpu.memref_squeeze %dma_wait3A_284 : memref<1x32x768xf32, #tpu.memory_space<hbm>> -> memref<32x768xf32, #tpu.memory_space<hbm>>
    %dma_wait3A_286 = arith.constant 0 : i32
    %dma_wait3A_287 = tpu.memref_slice %arg4[%select_n3A, %add3A_276, %dma_wait3A_286] : memref<4x4096x768xf32, #tpu.memory_space<hbm>> -> memref<1x32x768xf32, #tpu.memory_space<hbm>>
    %dma_wait3A_288 = tpu.memref_squeeze %dma_wait3A_287 : memref<1x32x768xf32, #tpu.memory_space<hbm>> -> memref<32x768xf32, #tpu.memory_space<hbm>>
    tpu.wait_dma2 semaphore(%arg20 : memref<!tpu.dma_semaphore, #tpu.memory_space<semaphore_mem>>) src(%arg10 : memref<32x768xf32, #tpu.memory_space<vmem>>) dst(%dma_wait3A_288 : memref<32x768xf32, #tpu.memory_space<hbm>>)
    %dma_start3A_289 = arith.constant 416 : i32
    %dma_start3A_290 = tpu.memref_slice %arg6[%dma_start3A_289] : memref<512xi32, #tpu.memory_space<vmem>> -> memref<32xi32, #tpu.memory_space<vmem>>
    %dma_start3A_291 = arith.constant 0 : i32
    %dma_start3A_292 = arith.constant 0 : i32
    %dma_start3A_293 = tpu.memref_slice %arg3[%dma_start3A_291, %dma_start3A_292] : memref<100000x768xf32, #tpu.memory_space<hbm>> -> memref<100000x768xf32, #tpu.memory_space<hbm>>
    tpu.enqueue_indirect_dma source(%dma_start3A_293 : memref<100000x768xf32, #tpu.memory_space<hbm>>) target(%arg10 : memref<32x768xf32, #tpu.memory_space<vmem>>) offsets(%dma_start3A_290 : memref<32xi32, #tpu.memory_space<vmem>>) semaphore(%arg15 : memref<!tpu.dma_semaphore, #tpu.memory_space<semaphore_mem>>)
    %dma_wait3A_294 = arith.constant 288 : i32
    %dma_wait3A_295 = tpu.memref_slice %arg6[%dma_wait3A_294] : memref<512xi32, #tpu.memory_space<vmem>> -> memref<32xi32, #tpu.memory_space<vmem>>
    %dma_wait3A_296 = arith.constant 0 : i32
    %dma_wait3A_297 = arith.constant 0 : i32
    %dma_wait3A_298 = tpu.memref_slice %arg3[%dma_wait3A_296, %dma_wait3A_297] : memref<100000x768xf32, #tpu.memory_space<hbm>> -> memref<100000x768xf32, #tpu.memory_space<hbm>>
    tpu.wait_indirect_dma semaphore(%arg16 : memref<!tpu.dma_semaphore, #tpu.memory_space<semaphore_mem>>) src(%dma_wait3A_298 : memref<100000x768xf32, #tpu.memory_space<hbm>>) dst(%arg11 : memref<32x768xf32, #tpu.memory_space<vmem>>)
    %add3A_299 = arith.constant 288 : i32
    %add3A_300 = arith.addi %mul3A_32, %add3A_299 : i32
    %dma_start3A_301 = arith.constant 0 : i32
    %dma_start3A_302 = tpu.memref_slice %arg4[%select_n3A, %add3A_300, %dma_start3A_301] : memref<4x4096x768xf32, #tpu.memory_space<hbm>> -> memref<1x32x768xf32, #tpu.memory_space<hbm>>
    %dma_start3A_303 = tpu.memref_squeeze %dma_start3A_302 : memref<1x32x768xf32, #tpu.memory_space<hbm>> -> memref<32x768xf32, #tpu.memory_space<hbm>>
    %dma_start3A_304 = arith.constant 0 : i32
    %dma_start3A_305 = tpu.memref_slice %arg4[%select_n3A, %add3A_300, %dma_start3A_304] : memref<4x4096x768xf32, #tpu.memory_space<hbm>> -> memref<1x32x768xf32, #tpu.memory_space<hbm>>
    %dma_start3A_306 = tpu.memref_squeeze %dma_start3A_305 : memref<1x32x768xf32, #tpu.memory_space<hbm>> -> memref<32x768xf32, #tpu.memory_space<hbm>>
    tpu.enqueue_dma source(%arg11 : memref<32x768xf32, #tpu.memory_space<vmem>>) target(%dma_start3A_306 : memref<32x768xf32, #tpu.memory_space<hbm>>) target_semaphore(%arg21 : memref<!tpu.dma_semaphore, #tpu.memory_space<semaphore_mem>>)
    %dma_wait3A_307 = arith.constant 0 : i32
    %dma_wait3A_308 = tpu.memref_slice %arg4[%select_n3A, %add3A_300, %dma_wait3A_307] : memref<4x4096x768xf32, #tpu.memory_space<hbm>> -> memref<1x32x768xf32, #tpu.memory_space<hbm>>
    %dma_wait3A_309 = tpu.memref_squeeze %dma_wait3A_308 : memref<1x32x768xf32, #tpu.memory_space<hbm>> -> memref<32x768xf32, #tpu.memory_space<hbm>>
    %dma_wait3A_310 = arith.constant 0 : i32
    %dma_wait3A_311 = tpu.memref_slice %arg4[%select_n3A, %add3A_300, %dma_wait3A_310] : memref<4x4096x768xf32, #tpu.memory_space<hbm>> -> memref<1x32x768xf32, #tpu.memory_space<hbm>>
    %dma_wait3A_312 = tpu.memref_squeeze %dma_wait3A_311 : memref<1x32x768xf32, #tpu.memory_space<hbm>> -> memref<32x768xf32, #tpu.memory_space<hbm>>
    tpu.wait_dma2 semaphore(%arg21 : memref<!tpu.dma_semaphore, #tpu.memory_space<semaphore_mem>>) src(%arg11 : memref<32x768xf32, #tpu.memory_space<vmem>>) dst(%dma_wait3A_312 : memref<32x768xf32, #tpu.memory_space<hbm>>)
    %dma_start3A_313 = arith.constant 448 : i32
    %dma_start3A_314 = tpu.memref_slice %arg6[%dma_start3A_313] : memref<512xi32, #tpu.memory_space<vmem>> -> memref<32xi32, #tpu.memory_space<vmem>>
    %dma_start3A_315 = arith.constant 0 : i32
    %dma_start3A_316 = arith.constant 0 : i32
    %dma_start3A_317 = tpu.memref_slice %arg3[%dma_start3A_315, %dma_start3A_316] : memref<100000x768xf32, #tpu.memory_space<hbm>> -> memref<100000x768xf32, #tpu.memory_space<hbm>>
    tpu.enqueue_indirect_dma source(%dma_start3A_317 : memref<100000x768xf32, #tpu.memory_space<hbm>>) target(%arg11 : memref<32x768xf32, #tpu.memory_space<vmem>>) offsets(%dma_start3A_314 : memref<32xi32, #tpu.memory_space<vmem>>) semaphore(%arg16 : memref<!tpu.dma_semaphore, #tpu.memory_space<semaphore_mem>>)
    %dma_wait3A_318 = arith.constant 320 : i32
    %dma_wait3A_319 = tpu.memref_slice %arg6[%dma_wait3A_318] : memref<512xi32, #tpu.memory_space<vmem>> -> memref<32xi32, #tpu.memory_space<vmem>>
    %dma_wait3A_320 = arith.constant 0 : i32
    %dma_wait3A_321 = arith.constant 0 : i32
    %dma_wait3A_322 = tpu.memref_slice %arg3[%dma_wait3A_320, %dma_wait3A_321] : memref<100000x768xf32, #tpu.memory_space<hbm>> -> memref<100000x768xf32, #tpu.memory_space<hbm>>
    tpu.wait_indirect_dma semaphore(%arg12 : memref<!tpu.dma_semaphore, #tpu.memory_space<semaphore_mem>>) src(%dma_wait3A_322 : memref<100000x768xf32, #tpu.memory_space<hbm>>) dst(%arg7 : memref<32x768xf32, #tpu.memory_space<vmem>>)
    %add3A_323 = arith.constant 320 : i32
    %add3A_324 = arith.addi %mul3A_32, %add3A_323 : i32
    %dma_start3A_325 = arith.constant 0 : i32
    %dma_start3A_326 = tpu.memref_slice %arg4[%select_n3A, %add3A_324, %dma_start3A_325] : memref<4x4096x768xf32, #tpu.memory_space<hbm>> -> memref<1x32x768xf32, #tpu.memory_space<hbm>>
    %dma_start3A_327 = tpu.memref_squeeze %dma_start3A_326 : memref<1x32x768xf32, #tpu.memory_space<hbm>> -> memref<32x768xf32, #tpu.memory_space<hbm>>
    %dma_start3A_328 = arith.constant 0 : i32
    %dma_start3A_329 = tpu.memref_slice %arg4[%select_n3A, %add3A_324, %dma_start3A_328] : memref<4x4096x768xf32, #tpu.memory_space<hbm>> -> memref<1x32x768xf32, #tpu.memory_space<hbm>>
    %dma_start3A_330 = tpu.memref_squeeze %dma_start3A_329 : memref<1x32x768xf32, #tpu.memory_space<hbm>> -> memref<32x768xf32, #tpu.memory_space<hbm>>
    tpu.enqueue_dma source(%arg7 : memref<32x768xf32, #tpu.memory_space<vmem>>) target(%dma_start3A_330 : memref<32x768xf32, #tpu.memory_space<hbm>>) target_semaphore(%arg17 : memref<!tpu.dma_semaphore, #tpu.memory_space<semaphore_mem>>)
    %dma_wait3A_331 = arith.constant 0 : i32
    %dma_wait3A_332 = tpu.memref_slice %arg4[%select_n3A, %add3A_324, %dma_wait3A_331] : memref<4x4096x768xf32, #tpu.memory_space<hbm>> -> memref<1x32x768xf32, #tpu.memory_space<hbm>>
    %dma_wait3A_333 = tpu.memref_squeeze %dma_wait3A_332 : memref<1x32x768xf32, #tpu.memory_space<hbm>> -> memref<32x768xf32, #tpu.memory_space<hbm>>
    %dma_wait3A_334 = arith.constant 0 : i32
    %dma_wait3A_335 = tpu.memref_slice %arg4[%select_n3A, %add3A_324, %dma_wait3A_334] : memref<4x4096x768xf32, #tpu.memory_space<hbm>> -> memref<1x32x768xf32, #tpu.memory_space<hbm>>
    %dma_wait3A_336 = tpu.memref_squeeze %dma_wait3A_335 : memref<1x32x768xf32, #tpu.memory_space<hbm>> -> memref<32x768xf32, #tpu.memory_space<hbm>>
    tpu.wait_dma2 semaphore(%arg17 : memref<!tpu.dma_semaphore, #tpu.memory_space<semaphore_mem>>) src(%arg7 : memref<32x768xf32, #tpu.memory_space<vmem>>) dst(%dma_wait3A_336 : memref<32x768xf32, #tpu.memory_space<hbm>>)
    %dma_start3A_337 = arith.constant 480 : i32
    %dma_start3A_338 = tpu.memref_slice %arg6[%dma_start3A_337] : memref<512xi32, #tpu.memory_space<vmem>> -> memref<32xi32, #tpu.memory_space<vmem>>
    %dma_start3A_339 = arith.constant 0 : i32
    %dma_start3A_340 = arith.constant 0 : i32
    %dma_start3A_341 = tpu.memref_slice %arg3[%dma_start3A_339, %dma_start3A_340] : memref<100000x768xf32, #tpu.memory_space<hbm>> -> memref<100000x768xf32, #tpu.memory_space<hbm>>
    tpu.enqueue_indirect_dma source(%dma_start3A_341 : memref<100000x768xf32, #tpu.memory_space<hbm>>) target(%arg7 : memref<32x768xf32, #tpu.memory_space<vmem>>) offsets(%dma_start3A_338 : memref<32xi32, #tpu.memory_space<vmem>>) semaphore(%arg12 : memref<!tpu.dma_semaphore, #tpu.memory_space<semaphore_mem>>)
    %dma_wait3A_342 = arith.constant 352 : i32
    %dma_wait3A_343 = tpu.memref_slice %arg6[%dma_wait3A_342] : memref<512xi32, #tpu.memory_space<vmem>> -> memref<32xi32, #tpu.memory_space<vmem>>
    %dma_wait3A_344 = arith.constant 0 : i32
    %dma_wait3A_345 = arith.constant 0 : i32
    %dma_wait3A_346 = tpu.memref_slice %arg3[%dma_wait3A_344, %dma_wait3A_345] : memref<100000x768xf32, #tpu.memory_space<hbm>> -> memref<100000x768xf32, #tpu.memory_space<hbm>>
    tpu.wait_indirect_dma semaphore(%arg13 : memref<!tpu.dma_semaphore, #tpu.memory_space<semaphore_mem>>) src(%dma_wait3A_346 : memref<100000x768xf32, #tpu.memory_space<hbm>>) dst(%arg8 : memref<32x768xf32, #tpu.memory_space<vmem>>)
    %add3A_347 = arith.constant 352 : i32
    %add3A_348 = arith.addi %mul3A_32, %add3A_347 : i32
    %dma_start3A_349 = arith.constant 0 : i32
    %dma_start3A_350 = tpu.memref_slice %arg4[%select_n3A, %add3A_348, %dma_start3A_349] : memref<4x4096x768xf32, #tpu.memory_space<hbm>> -> memref<1x32x768xf32, #tpu.memory_space<hbm>>
    %dma_start3A_351 = tpu.memref_squeeze %dma_start3A_350 : memref<1x32x768xf32, #tpu.memory_space<hbm>> -> memref<32x768xf32, #tpu.memory_space<hbm>>
    %dma_start3A_352 = arith.constant 0 : i32
    %dma_start3A_353 = tpu.memref_slice %arg4[%select_n3A, %add3A_348, %dma_start3A_352] : memref<4x4096x768xf32, #tpu.memory_space<hbm>> -> memref<1x32x768xf32, #tpu.memory_space<hbm>>
    %dma_start3A_354 = tpu.memref_squeeze %dma_start3A_353 : memref<1x32x768xf32, #tpu.memory_space<hbm>> -> memref<32x768xf32, #tpu.memory_space<hbm>>
    tpu.enqueue_dma source(%arg8 : memref<32x768xf32, #tpu.memory_space<vmem>>) target(%dma_start3A_354 : memref<32x768xf32, #tpu.memory_space<hbm>>) target_semaphore(%arg18 : memref<!tpu.dma_semaphore, #tpu.memory_space<semaphore_mem>>)
    %dma_wait3A_355 = arith.constant 384 : i32
    %dma_wait3A_356 = tpu.memref_slice %arg6[%dma_wait3A_355] : memref<512xi32, #tpu.memory_space<vmem>> -> memref<32xi32, #tpu.memory_space<vmem>>
    %dma_wait3A_357 = arith.constant 0 : i32
    %dma_wait3A_358 = arith.constant 0 : i32
    %dma_wait3A_359 = tpu.memref_slice %arg3[%dma_wait3A_357, %dma_wait3A_358] : memref<100000x768xf32, #tpu.memory_space<hbm>> -> memref<100000x768xf32, #tpu.memory_space<hbm>>
    tpu.wait_indirect_dma semaphore(%arg14 : memref<!tpu.dma_semaphore, #tpu.memory_space<semaphore_mem>>) src(%dma_wait3A_359 : memref<100000x768xf32, #tpu.memory_space<hbm>>) dst(%arg9 : memref<32x768xf32, #tpu.memory_space<vmem>>)
    %add3A_360 = arith.constant 384 : i32
    %add3A_361 = arith.addi %mul3A_32, %add3A_360 : i32
    %dma_start3A_362 = arith.constant 0 : i32
    %dma_start3A_363 = tpu.memref_slice %arg4[%select_n3A, %add3A_361, %dma_start3A_362] : memref<4x4096x768xf32, #tpu.memory_space<hbm>> -> memref<1x32x768xf32, #tpu.memory_space<hbm>>
    %dma_start3A_364 = tpu.memref_squeeze %dma_start3A_363 : memref<1x32x768xf32, #tpu.memory_space<hbm>> -> memref<32x768xf32, #tpu.memory_space<hbm>>
    %dma_start3A_365 = arith.constant 0 : i32
    %dma_start3A_366 = tpu.memref_slice %arg4[%select_n3A, %add3A_361, %dma_start3A_365] : memref<4x4096x768xf32, #tpu.memory_space<hbm>> -> memref<1x32x768xf32, #tpu.memory_space<hbm>>
    %dma_start3A_367 = tpu.memref_squeeze %dma_start3A_366 : memref<1x32x768xf32, #tpu.memory_space<hbm>> -> memref<32x768xf32, #tpu.memory_space<hbm>>
    tpu.enqueue_dma source(%arg9 : memref<32x768xf32, #tpu.memory_space<vmem>>) target(%dma_start3A_367 : memref<32x768xf32, #tpu.memory_space<hbm>>) target_semaphore(%arg19 : memref<!tpu.dma_semaphore, #tpu.memory_space<semaphore_mem>>)
    %dma_wait3A_368 = arith.constant 416 : i32
    %dma_wait3A_369 = tpu.memref_slice %arg6[%dma_wait3A_368] : memref<512xi32, #tpu.memory_space<vmem>> -> memref<32xi32, #tpu.memory_space<vmem>>
    %dma_wait3A_370 = arith.constant 0 : i32
    %dma_wait3A_371 = arith.constant 0 : i32
    %dma_wait3A_372 = tpu.memref_slice %arg3[%dma_wait3A_370, %dma_wait3A_371] : memref<100000x768xf32, #tpu.memory_space<hbm>> -> memref<100000x768xf32, #tpu.memory_space<hbm>>
    tpu.wait_indirect_dma semaphore(%arg15 : memref<!tpu.dma_semaphore, #tpu.memory_space<semaphore_mem>>) src(%dma_wait3A_372 : memref<100000x768xf32, #tpu.memory_space<hbm>>) dst(%arg10 : memref<32x768xf32, #tpu.memory_space<vmem>>)
    %add3A_373 = arith.constant 416 : i32
    %add3A_374 = arith.addi %mul3A_32, %add3A_373 : i32
    %dma_start3A_375 = arith.constant 0 : i32
    %dma_start3A_376 = tpu.memref_slice %arg4[%select_n3A, %add3A_374, %dma_start3A_375] : memref<4x4096x768xf32, #tpu.memory_space<hbm>> -> memref<1x32x768xf32, #tpu.memory_space<hbm>>
    %dma_start3A_377 = tpu.memref_squeeze %dma_start3A_376 : memref<1x32x768xf32, #tpu.memory_space<hbm>> -> memref<32x768xf32, #tpu.memory_space<hbm>>
    %dma_start3A_378 = arith.constant 0 : i32
    %dma_start3A_379 = tpu.memref_slice %arg4[%select_n3A, %add3A_374, %dma_start3A_378] : memref<4x4096x768xf32, #tpu.memory_space<hbm>> -> memref<1x32x768xf32, #tpu.memory_space<hbm>>
    %dma_start3A_380 = tpu.memref_squeeze %dma_start3A_379 : memref<1x32x768xf32, #tpu.memory_space<hbm>> -> memref<32x768xf32, #tpu.memory_space<hbm>>
    tpu.enqueue_dma source(%arg10 : memref<32x768xf32, #tpu.memory_space<vmem>>) target(%dma_start3A_380 : memref<32x768xf32, #tpu.memory_space<hbm>>) target_semaphore(%arg20 : memref<!tpu.dma_semaphore, #tpu.memory_space<semaphore_mem>>)
    %dma_wait3A_381 = arith.constant 448 : i32
    %dma_wait3A_382 = tpu.memref_slice %arg6[%dma_wait3A_381] : memref<512xi32, #tpu.memory_space<vmem>> -> memref<32xi32, #tpu.memory_space<vmem>>
    %dma_wait3A_383 = arith.constant 0 : i32
    %dma_wait3A_384 = arith.constant 0 : i32
    %dma_wait3A_385 = tpu.memref_slice %arg3[%dma_wait3A_383, %dma_wait3A_384] : memref<100000x768xf32, #tpu.memory_space<hbm>> -> memref<100000x768xf32, #tpu.memory_space<hbm>>
    tpu.wait_indirect_dma semaphore(%arg16 : memref<!tpu.dma_semaphore, #tpu.memory_space<semaphore_mem>>) src(%dma_wait3A_385 : memref<100000x768xf32, #tpu.memory_space<hbm>>) dst(%arg11 : memref<32x768xf32, #tpu.memory_space<vmem>>)
    %add3A_386 = arith.constant 448 : i32
    %add3A_387 = arith.addi %mul3A_32, %add3A_386 : i32
    %dma_start3A_388 = arith.constant 0 : i32
    %dma_start3A_389 = tpu.memref_slice %arg4[%select_n3A, %add3A_387, %dma_start3A_388] : memref<4x4096x768xf32, #tpu.memory_space<hbm>> -> memref<1x32x768xf32, #tpu.memory_space<hbm>>
    %dma_start3A_390 = tpu.memref_squeeze %dma_start3A_389 : memref<1x32x768xf32, #tpu.memory_space<hbm>> -> memref<32x768xf32, #tpu.memory_space<hbm>>
    %dma_start3A_391 = arith.constant 0 : i32
    %dma_start3A_392 = tpu.memref_slice %arg4[%select_n3A, %add3A_387, %dma_start3A_391] : memref<4x4096x768xf32, #tpu.memory_space<hbm>> -> memref<1x32x768xf32, #tpu.memory_space<hbm>>
    %dma_start3A_393 = tpu.memref_squeeze %dma_start3A_392 : memref<1x32x768xf32, #tpu.memory_space<hbm>> -> memref<32x768xf32, #tpu.memory_space<hbm>>
    tpu.enqueue_dma source(%arg11 : memref<32x768xf32, #tpu.memory_space<vmem>>) target(%dma_start3A_393 : memref<32x768xf32, #tpu.memory_space<hbm>>) target_semaphore(%arg21 : memref<!tpu.dma_semaphore, #tpu.memory_space<semaphore_mem>>)
    %dma_wait3A_394 = arith.constant 480 : i32
    %dma_wait3A_395 = tpu.memref_slice %arg6[%dma_wait3A_394] : memref<512xi32, #tpu.memory_space<vmem>> -> memref<32xi32, #tpu.memory_space<vmem>>
    %dma_wait3A_396 = arith.constant 0 : i32
    %dma_wait3A_397 = arith.constant 0 : i32
    %dma_wait3A_398 = tpu.memref_slice %arg3[%dma_wait3A_396, %dma_wait3A_397] : memref<100000x768xf32, #tpu.memory_space<hbm>> -> memref<100000x768xf32, #tpu.memory_space<hbm>>
    tpu.wait_indirect_dma semaphore(%arg12 : memref<!tpu.dma_semaphore, #tpu.memory_space<semaphore_mem>>) src(%dma_wait3A_398 : memref<100000x768xf32, #tpu.memory_space<hbm>>) dst(%arg7 : memref<32x768xf32, #tpu.memory_space<vmem>>)
    %add3A_399 = arith.constant 480 : i32
    %add3A_400 = arith.addi %mul3A_32, %add3A_399 : i32
    %dma_start3A_401 = arith.constant 0 : i32
    %dma_start3A_402 = tpu.memref_slice %arg4[%select_n3A, %add3A_400, %dma_start3A_401] : memref<4x4096x768xf32, #tpu.memory_space<hbm>> -> memref<1x32x768xf32, #tpu.memory_space<hbm>>
    %dma_start3A_403 = tpu.memref_squeeze %dma_start3A_402 : memref<1x32x768xf32, #tpu.memory_space<hbm>> -> memref<32x768xf32, #tpu.memory_space<hbm>>
    %dma_start3A_404 = arith.constant 0 : i32
    %dma_start3A_405 = tpu.memref_slice %arg4[%select_n3A, %add3A_400, %dma_start3A_404] : memref<4x4096x768xf32, #tpu.memory_space<hbm>> -> memref<1x32x768xf32, #tpu.memory_space<hbm>>
    %dma_start3A_406 = tpu.memref_squeeze %dma_start3A_405 : memref<1x32x768xf32, #tpu.memory_space<hbm>> -> memref<32x768xf32, #tpu.memory_space<hbm>>
    tpu.enqueue_dma source(%arg7 : memref<32x768xf32, #tpu.memory_space<vmem>>) target(%dma_start3A_406 : memref<32x768xf32, #tpu.memory_space<hbm>>) target_semaphore(%arg17 : memref<!tpu.dma_semaphore, #tpu.memory_space<semaphore_mem>>)
    %dma_wait3A_407 = arith.constant 0 : i32
    %dma_wait3A_408 = tpu.memref_slice %arg4[%select_n3A, %add3A_348, %dma_wait3A_407] : memref<4x4096x768xf32, #tpu.memory_space<hbm>> -> memref<1x32x768xf32, #tpu.memory_space<hbm>>
    %dma_wait3A_409 = tpu.memref_squeeze %dma_wait3A_408 : memref<1x32x768xf32, #tpu.memory_space<hbm>> -> memref<32x768xf32, #tpu.memory_space<hbm>>
    %dma_wait3A_410 = arith.constant 0 : i32
    %dma_wait3A_411 = tpu.memref_slice %arg4[%select_n3A, %add3A_348, %dma_wait3A_410] : memref<4x4096x768xf32, #tpu.memory_space<hbm>> -> memref<1x32x768xf32, #tpu.memory_space<hbm>>
    %dma_wait3A_412 = tpu.memref_squeeze %dma_wait3A_411 : memref<1x32x768xf32, #tpu.memory_space<hbm>> -> memref<32x768xf32, #tpu.memory_space<hbm>>
    tpu.wait_dma2 semaphore(%arg18 : memref<!tpu.dma_semaphore, #tpu.memory_space<semaphore_mem>>) src(%arg8 : memref<32x768xf32, #tpu.memory_space<vmem>>) dst(%dma_wait3A_412 : memref<32x768xf32, #tpu.memory_space<hbm>>)
    %dma_wait3A_413 = arith.constant 0 : i32
    %dma_wait3A_414 = tpu.memref_slice %arg4[%select_n3A, %add3A_361, %dma_wait3A_413] : memref<4x4096x768xf32, #tpu.memory_space<hbm>> -> memref<1x32x768xf32, #tpu.memory_space<hbm>>
    %dma_wait3A_415 = tpu.memref_squeeze %dma_wait3A_414 : memref<1x32x768xf32, #tpu.memory_space<hbm>> -> memref<32x768xf32, #tpu.memory_space<hbm>>
    %dma_wait3A_416 = arith.constant 0 : i32
    %dma_wait3A_417 = tpu.memref_slice %arg4[%select_n3A, %add3A_361, %dma_wait3A_416] : memref<4x4096x768xf32, #tpu.memory_space<hbm>> -> memref<1x32x768xf32, #tpu.memory_space<hbm>>
    %dma_wait3A_418 = tpu.memref_squeeze %dma_wait3A_417 : memref<1x32x768xf32, #tpu.memory_space<hbm>> -> memref<32x768xf32, #tpu.memory_space<hbm>>
    tpu.wait_dma2 semaphore(%arg19 : memref<!tpu.dma_semaphore, #tpu.memory_space<semaphore_mem>>) src(%arg9 : memref<32x768xf32, #tpu.memory_space<vmem>>) dst(%dma_wait3A_418 : memref<32x768xf32, #tpu.memory_space<hbm>>)
    %dma_wait3A_419 = arith.constant 0 : i32
    %dma_wait3A_420 = tpu.memref_slice %arg4[%select_n3A, %add3A_374, %dma_wait3A_419] : memref<4x4096x768xf32, #tpu.memory_space<hbm>> -> memref<1x32x768xf32, #tpu.memory_space<hbm>>
    %dma_wait3A_421 = tpu.memref_squeeze %dma_wait3A_420 : memref<1x32x768xf32, #tpu.memory_space<hbm>> -> memref<32x768xf32, #tpu.memory_space<hbm>>
    %dma_wait3A_422 = arith.constant 0 : i32
    %dma_wait3A_423 = tpu.memref_slice %arg4[%select_n3A, %add3A_374, %dma_wait3A_422] : memref<4x4096x768xf32, #tpu.memory_space<hbm>> -> memref<1x32x768xf32, #tpu.memory_space<hbm>>
    %dma_wait3A_424 = tpu.memref_squeeze %dma_wait3A_423 : memref<1x32x768xf32, #tpu.memory_space<hbm>> -> memref<32x768xf32, #tpu.memory_space<hbm>>
    tpu.wait_dma2 semaphore(%arg20 : memref<!tpu.dma_semaphore, #tpu.memory_space<semaphore_mem>>) src(%arg10 : memref<32x768xf32, #tpu.memory_space<vmem>>) dst(%dma_wait3A_424 : memref<32x768xf32, #tpu.memory_space<hbm>>)
    %dma_wait3A_425 = arith.constant 0 : i32
    %dma_wait3A_426 = tpu.memref_slice %arg4[%select_n3A, %add3A_387, %dma_wait3A_425] : memref<4x4096x768xf32, #tpu.memory_space<hbm>> -> memref<1x32x768xf32, #tpu.memory_space<hbm>>
    %dma_wait3A_427 = tpu.memref_squeeze %dma_wait3A_426 : memref<1x32x768xf32, #tpu.memory_space<hbm>> -> memref<32x768xf32, #tpu.memory_space<hbm>>
    %dma_wait3A_428 = arith.constant 0 : i32
    %dma_wait3A_429 = tpu.memref_slice %arg4[%select_n3A, %add3A_387, %dma_wait3A_428] : memref<4x4096x768xf32, #tpu.memory_space<hbm>> -> memref<1x32x768xf32, #tpu.memory_space<hbm>>
    %dma_wait3A_430 = tpu.memref_squeeze %dma_wait3A_429 : memref<1x32x768xf32, #tpu.memory_space<hbm>> -> memref<32x768xf32, #tpu.memory_space<hbm>>
    tpu.wait_dma2 semaphore(%arg21 : memref<!tpu.dma_semaphore, #tpu.memory_space<semaphore_mem>>) src(%arg11 : memref<32x768xf32, #tpu.memory_space<vmem>>) dst(%dma_wait3A_430 : memref<32x768xf32, #tpu.memory_space<hbm>>)
    %dma_wait3A_431 = arith.constant 0 : i32
    %dma_wait3A_432 = tpu.memref_slice %arg4[%select_n3A, %add3A_400, %dma_wait3A_431] : memref<4x4096x768xf32, #tpu.memory_space<hbm>> -> memref<1x32x768xf32, #tpu.memory_space<hbm>>
    %dma_wait3A_433 = tpu.memref_squeeze %dma_wait3A_432 : memref<1x32x768xf32, #tpu.memory_space<hbm>> -> memref<32x768xf32, #tpu.memory_space<hbm>>
    %dma_wait3A_434 = arith.constant 0 : i32
    %dma_wait3A_435 = tpu.memref_slice %arg4[%select_n3A, %add3A_400, %dma_wait3A_434] : memref<4x4096x768xf32, #tpu.memory_space<hbm>> -> memref<1x32x768xf32, #tpu.memory_space<hbm>>
    %dma_wait3A_436 = tpu.memref_squeeze %dma_wait3A_435 : memref<1x32x768xf32, #tpu.memory_space<hbm>> -> memref<32x768xf32, #tpu.memory_space<hbm>>
    tpu.wait_dma2 semaphore(%arg17 : memref<!tpu.dma_semaphore, #tpu.memory_space<semaphore_mem>>) src(%arg7 : memref<32x768xf32, #tpu.memory_space<vmem>>) dst(%dma_wait3A_436 : memref<32x768xf32, #tpu.memory_space<hbm>>)
    %dma_wait3A_437 = tpu.memref_slice %arg5[%select_n3A, %mul3A_32] : memref<4x4096xi32, #tpu.memory_space<hbm>> -> memref<1x512xi32, #tpu.memory_space<hbm>>
    %dma_wait3A_438 = tpu.memref_squeeze %dma_wait3A_437 : memref<1x512xi32, #tpu.memory_space<hbm>> -> memref<512xi32, #tpu.memory_space<hbm>>
    %dma_wait3A_439 = tpu.memref_slice %arg5[%select_n3A, %mul3A_32] : memref<4x4096xi32, #tpu.memory_space<hbm>> -> memref<1x512xi32, #tpu.memory_space<hbm>>
    %dma_wait3A_440 = tpu.memref_squeeze %dma_wait3A_439 : memref<1x512xi32, #tpu.memory_space<hbm>> -> memref<512xi32, #tpu.memory_space<hbm>>
    tpu.wait_dma2 semaphore(%arg22 : memref<!tpu.dma_semaphore, #tpu.memory_space<semaphore_mem>>) src(%arg6 : memref<512xi32, #tpu.memory_space<vmem>>) dst(%dma_wait3A_440 : memref<512xi32, #tpu.memory_space<hbm>>)
    return
  }
}

</mosaic_0001>

<sc_bundles>
// kernel: run.3.cloned.1.call-start
scs
__scs_entry_jumppad:
0x0: {  	(pc) =	sbr.rel $0x88, $3  }
0x1: {  	(tag) =	ssettag $0x0;
	lr =	simm.s32 $0x1  }
0x2: {  	[smem:$0x3F9F] =	sst lr;
	_ =	strace $0xD0000000  }
0x3: {  	_ = 	snop  }
0x4: {  	_ = 	snop  }
0x5: {  	_ = 	snop  }
0x6: {  	_ = 	snop  }
0x7: {  	_ = 	snop  }
__scs_overlays_trampoline_lowered:
0x8: {  	[smem:$0x3FAE] =	sst s0  }
0x9: {  	[smem:$0x3FAF] =	sst s1  }
0xa: {  	[smem:$0x3FB0] =	sst s2  }
0xb: {  	[smem:$0x3FB1] =	sst s3  }
0xc: {  	[smem:$0x3FB2] =	sst s4  }
0xd: {  	[smem:$0x3FB3] =	sst s5  }
0xe: {  	[smem:$0x3FB4] =	sst s6  }
0xf: {  	[smem:$0x3FB5] =	sst s7  }
0x10: {  	[smem:$0x3FB6] =	sst s8  }
0x11: {  	[smem:$0x3FB7] =	sst s9;
	s0 =	simm.s32 @!p0 $0x0  }
0x12: {  	s1 =	sld [smem:$0x3F9D];
	s0 =	simm.s32 @p0 $0x1  }
0x13: {  	[smem:$0x3FB8] =	sst s0;
	s0 =	simm.s32 @!p1 $0x0  }
0x14: {  	s2 =	sld [smem:$0x3F9C];
	s0 =	simm.s32 @p1 $0x1  }
0x15: {  	[smem:$0x3FB9] =	sst s0;
	s0 =	simm.s32 @!p2 $0x0  }
0x16: {  	s3 =	sld [smem:$0x3FDB];
	s0 =	simm.s32 @p2 $0x1  }
0x17: {  	s4 =	simm.s32 $0x1BF5;
	[smem:$0x3FBB] =	sst s0  }
0x18: {  	s0 =	sld [smem:$0x3F9E];
	_ =	swait.ge [sflag:s4], $0x0  }
0x19: {  	s7 =	sld [smem:$0x3F9F]  }
0x1a: {  	s8 =	sadd.s32 $0xFFFFE003, lr  }
0x1b: {  	s9 =	sadd.s32 $0xFFFFFEF7, lr;
	s5 =	simm.s32 $0xFFFFFFFF;
	p2 =	slt.u32 s8, $0xFFFFF086  }
0x1c: {  	p1 =	slt.u32 s9, $0xF7A;
	s5 =	simm.s32 @!p2 $0x0  }
0x1d: {  	s5 =	simm.s32 @p1 $0x1;
	p0 =	seq.s32 s7, s2  }
0x1e: {  	s7 =	smul.u32 @!p0 $0xF7A, s2;
	p2 =	seq.s32 @!p0 s5, $0x0  }
0x1f: {  	s9 =	smul.u32 $0xF7A, s1;
	s8 =	simm.s32 @!p0 $0x1BF5;
	p2 =	por !p2, p0  }
0x20: {  	[sflag:s8] =	ssyncset.s32 @!p0 $0xFFFFF086;
	s6 =	sadd.s32 @!p0 s3, s7;
	s7 =	simm.s32 @!p0 $0x108  }
0x21: {  	s3 =	sadd.s32 s3, s9;
	s6 =	sadd.s32 @!p0 $0x88, s6;
	s7 =	simm.s32 @p2 $0x1082  }
0x22: {  	[simem:s7], [sflag:s8] =	dma.local @!p0 [hbm:s6], $0xF7A  }
0x23: {  	s9 =	sor.u32 $0xD0000000, s2;
	s6 =	simm.s32 $0x108;
	_ =	swait.ge @!p0 [sflag:s8], $0x0  }
0x24: {  	s3 =	sadd.s32 $0x88, s3;
	s6 =	simm.s32 @!p1 $0x1082;
	[sflag:s4] =	ssyncset.s32 $0xFFFFF086  }
0x25: {  	[simem:s6], [sflag:s4] =	dma.local [hbm:s3], $0xF7A  }
0x26: {  	[smem:$0x3F9F] =	sst s1;
	(tag) =	ssettag s2;
	_ =	strace s9  }
0x27: {  	s1 =	sld [smem:$0x3FAF]  }
0x28: {  	s2 =	sld [smem:$0x3FB0]  }
0x29: {  	s4 =	sld [smem:$0x3FB2]  }
0x2a: {  	p0 =	seq.s32 s5, $0x0;
	s5 =	sld [smem:$0x3FB3]  }
0x2b: {  	s6 =	sld [smem:$0x3FB4]  }
0x2c: {  	s7 =	sld [smem:$0x3FB5]  }
0x2d: {  	s3 =	simm.s32 $0x108;
	s8 =	sld [smem:$0x3FB6]  }
0x2e: {  	s3 =	simm.s32 @!p0 $0x1082;
	s9 =	sld [smem:$0x3FB7]  }
0x2f: {  	lr =	sadd.s32 s0, s3;
	s0 =	sld [smem:$0x3FAE]  }
0x30: {  	s3 =	sld [smem:$0x3FB1]  }
0x31: {  	[smem:$0x3FBA] =	sst s10  }
0x32: {  	s10 =	sld [smem:$0x3FB8];
	_ =	sdelay $0x3  }
0x33: {  	p0 =	seq.s32 s10, $0x1;
	s10 =	sld [smem:$0x3FBA];
	_ =	sdelay $0x3  }
0x34: {  	[smem:$0x3FBA] =	sst s10  }
0x35: {  	s10 =	sld [smem:$0x3FB9];
	_ =	sdelay $0x3  }
0x36: {  	p1 =	seq.s32 s10, $0x1;
	s10 =	sld [smem:$0x3FBA];
	_ =	sdelay $0x3  }
0x37: {  	[smem:$0x3FBA] =	sst s10  }
0x38: {  	s10 =	sld [smem:$0x3FBB]  }
0x39: {  	_ = 	snop;
	(pc) =	sbr.ind lr, $3  }
0x3a: {  	_ = 	snop  }
0x3b: {  	_ = 	snop  }
0x3c: {  	p2 =	seq.s32 s10, $0x1;
	s10 =	sld [smem:$0x3FBA]  }
0x3d: {  	_ =	shalt  }
0x3e: {  	_ =	shalt  }
0x3f: {  	_ =	shalt  }
0x40: {  	_ =	shalt  }
0x41: {  	_ =	shalt  }
0x42: {  	_ =	shalt  }
0x43: {  	_ =	shalt  }
0x44: {  	_ =	shalt  }
0x45: {  	_ =	shalt  }
0x46: {  	_ =	shalt  }
0x47: {  	_ =	shalt  }
0x48: {  	_ =	shalt  }
0x49: {  	_ =	shalt  }
0x4a: {  	_ =	shalt  }
0x4b: {  	_ =	shalt  }
0x4c: {  	_ =	shalt  }
0x4d: {  	_ =	shalt  }
0x4e: {  	_ =	shalt  }
0x4f: {  	_ =	shalt  }
0x50: {  	_ =	shalt  }
0x51: {  	_ =	shalt  }
0x52: {  	_ =	shalt  }
0x53: {  	_ =	shalt  }
0x54: {  	_ =	shalt  }
0x55: {  	_ =	shalt  }
0x56: {  	_ =	shalt  }
0x57: {  	_ =	shalt  }
0x58: {  	_ =	shalt  }
0x59: {  	_ =	shalt  }
0x5a: {  	_ =	shalt  }
0x5b: {  	_ =	shalt  }
0x5c: {  	_ =	shalt  }
0x5d: {  	_ =	shalt  }
0x5e: {  	_ =	shalt  }
0x5f: {  	_ =	shalt  }
0x60: {  	_ =	shalt  }
0x61: {  	_ =	shalt  }
0x62: {  	_ =	shalt  }
0x63: {  	_ =	shalt  }
0x64: {  	_ =	shalt  }
0x65: {  	_ =	shalt  }
0x66: {  	_ =	shalt  }
0x67: {  	_ =	shalt  }
0x68: {  	_ =	shalt  }
0x69: {  	_ =	shalt  }
0x6a: {  	_ =	shalt  }
0x6b: {  	_ =	shalt  }
0x6c: {  	_ =	shalt  }
0x6d: {  	_ =	shalt  }
0x6e: {  	_ =	shalt  }
0x6f: {  	_ =	shalt  }
0x70: {  	_ =	shalt  }
0x71: {  	_ =	shalt  }
0x72: {  	_ =	shalt  }
0x73: {  	_ =	shalt  }
0x74: {  	_ =	shalt  }
0x75: {  	_ =	shalt  }
0x76: {  	_ =	shalt  }
0x77: {  	_ =	shalt  }
0x78: {  	_ =	shalt  }
0x79: {  	_ =	shalt  }
0x7a: {  	_ =	shalt  }
0x7b: {  	_ =	shalt  }
0x7c: {  	_ =	shalt  }
0x7d: {  	_ =	shalt  }
0x7e: {  	_ =	shalt  }
0x7f: {  	_ =	shalt  }
0x80: {  	_ =	shalt  }
0x81: {  	_ =	shalt  }
0x82: {  	_ =	shalt  }
0x83: {  	_ =	shalt  }
0x84: {  	_ =	shalt  }
0x85: {  	_ =	shalt  }
0x86: {  	_ =	shalt  }
0x87: {  	_ =	shalt  }
.Lfunc_end0:
.L_simem_size_0:
called_computation_lowered:
.L_overlay_start_0:
0x88: {  	s2 =	sld [smem:$0x3FD9]  }
0x89: {  	s3 =	sld [smem:$0x3FFE];
	_ =	sdelay $0x1  }
0x8a: {  	s1 =	srdreg.scid  }
0x8b: {  	s0 =	sand.u32 $0x1, s1  }
0x8c: {  	s15 =	sshll.u32 s0, $0xA;
	s2 =	sadd.s32 s3, s2  }
0x8d: {  	s2 =	sadd.s32 s2, s15  }
0x8e: {  	[smem:$0x3FC6] =	sst s2  }
0x8f: {  	_ = 	snop  }
0x90: {  	s2 =	sld [smem:$0x3FD0];
	_ =	sdelay $0x1  }
0x91: {  	s16 =	sld [smem:$0x3FC9]  }
0x92: {  	s5 =	simm.s32 $0xA;
	s6 =	simm.s32 $0x10;
	s4 =	sld [smem:$0x3FC8]  }
0x93: {  	[smem:s6], [sflag:s5] =	dma.local [hbm:s2], $0x1  }
0x94: {  	_ =	swait.eq [sflag:s5], $0x1  }
0x95: {  	[sflag:s5] =	ssyncset.done $0x0  }
0x96: {  	s17 =	sld [smem:$0x10];
	[sflag:s5] =	ssyncadd.s32 $0xFFFFFFFF  }
0x97: {  	s18 =	sld [smem:$0x11];
	(tm) =	ssettm $0x1  }
0x98: {  	s19 =	sld [smem:$0x3FFB];
	_ =	sdelay $0x3  }
0x99: {  	_ =	strace s19  }
0x9a: {  	s6 =	sld [smem:$0x3FFC];
	_ =	sdelay $0x3  }
0x9b: {  	_ =	strace s6  }
0x9c: {  	s6 =	sld [smem:$0x3FFD];
	_ =	sdelay $0x3  }
0x9d: {  	_ =	strace s6  }
0x9e: {  	_ =	strace $0x8FFFFFFF  }
0x9f: {  	s20 =	sld [smem:$0x3FDB];
	_ =	sdelay $0x1  }
0xa0: {  	s7 =	simm.s32 $_scs_section_size  }
0xa1: {  	s8 =	simm.s32 $_size__tile_overlayer_lowered;
	s9 =	simm.s32 $_tile_overlayer_lowered  }
0xa2: {  	s23 =	simm.s32 $0x1BFF;
	s22 =	sshll.u32 s9, $0x1;
	s6 =	sadd.s32 s7, s20  }
0xa3: {  	s10 =	simm.s32 $0x0;
	s21 =	sshll.u32 s8, $0x1;
	s8 =	sadd.s32 s22, s6  }
0xa4: {  	[timem:s10], [sflag:s23] =	dma.local [hbm:s8], s21  }
0xa5: {  	_ =	swait.ge [sflag:s23], s21  }
0xa6: {  	s7 =	ssub.s32 $0x0, s21;
	[sflag:s23] =	ssyncset.done $0x0  }
0xa7: {  	[sflag:s23] =	ssyncadd.s32 s7;
	_ =	sdelay $0x1  }
0xa8: {  	s24 =	simm.s32 $0x1B8B  }
0xa9: {  	_ =	swait.ge [sflag:s24], $0x1  }
0xaa: {  	[sflag:s24] =	ssyncset.done $0x0  }
0xab: {  	s25 =	simm.s32 $0x1B8E;
	[sflag:s24] =	ssyncadd.s32 $0xFFFFFFFF  }
0xac: {  	s26 =	simm.s32 $execute0_lowered;
	[smem:$0x3FD2] =	sst s25  }
0xad: {  	s7 =	sshll.u32 s26, $0x1;
	_ =	strace $0x80000046;
	[dreg:$0x1] =	wrdreg $0xFFFFFFFF  }
0xae: {  	s28 =	simm.s32 $_size_execute0_lowered;
	s6 =	sadd.s32 s6, s7;
	[dreg:$0x0] =	wrdreg $0x0  }
0xaf: {  	s7 =	sshll.u32 s28, $0x1;
	[dreg:$0x2] =	wrdreg s6  }
0xb0: {  	[dreg:$0x3] =	wrdreg s7  }
0xb1: {  	[dreg:$0x4] =	wrdreg $0xC0  }
0xb2: {  	_ =	task [dreg:s10], $0x5FFFF  }
0xb3: {  	[dreg:$0x1] =	wrdreg $0xFFFFFFFF  }
0xb4: {  	[dreg:$0x0] =	wrdreg $0x60  }
0xb5: {  	[dreg:$0x2] =	wrdreg s16  }
0xb6: {  	[dreg:$0x3] =	wrdreg s4  }
0xb7: {  	[dreg:$0x4] =	wrdreg s17  }
0xb8: {  	[dreg:$0x5] =	wrdreg s18  }
0xb9: {  	[dreg:$0x6] =	wrdreg $0x9  }
0xba: {  	_ =	task.clear_ibuf [dreg:s10], $0x7FFFF;
	_ =	strace $0x90000046  }
0xbb: {  	s29 =	simm.s32 $0x9;
	_ =	strace $0x80000048  }
0xbc: {  	_ =	swait.ge [sflag:s29], $0x1  }
0xbd: {  	[sflag:s29] =	ssyncadd.s32 $0xFFFFFFFF  }
0xbe: {  	_ =	strace $0x90000048  }
0xbf: {  	_ =	sfence  }
0xc0: {  	s30 =	sld [smem:$0x0];
	_ =	sdelay $0x2  }
0xc1: {  	s31 =	sshll.u32 s1, $0xD;
	s1 =	sshrl.u32 s1, $0x2  }
0xc2: {  	s3 =	sand.u32 $0x4000, s31;
	s1 =	sadd.s32 s1, s30  }
0xc3: {  	s0 =	sor.u32 s3, s0;
	s1 =	sshll.u32 s1, $0x11  }
0xc4: {  	s0 =	sor.u32 s1, s0  }
0xc5: {  	s0 =	sadd.s32 $0x8F2B, s0  }
0xc6: {  	[sflag:s0] =	ssyncadd.remote.s32 $0x1  }
0xc7: {  	_ =	sfence.sel $0xFFFF  }
0xc8: {  	[dreg:$0x0] =	wrdreg $0xFFFFFFFF;
	(pc) =	sbr.abs _section_cstart, $3  }
0xc9: {  	[dreg:$0x1] =	wrdreg $0xFFFFFFFF  }
0xca: {  	_ =	task.clear_ibuf [dreg:s10], $0x2FFFF;
	_ =	strace $0x9FFFFFFF  }
0xcb: {  	(tm) =	ssettm $0x7FFFFFFF  }
tec
execute0_lowered:
.L_overlay_start_1:
0x0: {  	(tag) =	ssettag $0x1  }
0x1: {  	s0 =	rddreg [dreg:$0x0]  }
0x2: {  	s2 =	rddreg [dreg:$0x1]  }
0x3: {  	s1 =	rddreg [dreg:$0x2];
	s7 =	stileid.u32  }
0x4: {  	s4 =	rddreg [dreg:$0x3];
	s5 =	srdreg.scid;
	s6 =	sshll.u32 s7, $0x1  }
0x5: {  	s3 =	simm.s32 $0x0;
	s5 =	sand.u32 $0x1, s5;
	s6 =	sand.u32 $0x6, s6  }
0x6: {  	[smem:$0x7FF] =	sst s3;
	s7 =	sshrl.u32 s7, $0x2;
	s6 =	sor.u32 s5, s6  }
0x7: {  	s10 =	sshll.u32 s7, $0x7;
	s7 =	smul.u32 $0x300000, s7;
	s9 =	sshll.u32 s6, $0xB  }
0x8: {  	s8 =	sshll.u32 s6, $0x9;
	s6 =	smul.u32 $0x60000, s6;
	s9 =	sor.u32 s10, s9  }
0x9: {  	_ =	strace $0x80000047;
	s8 =	sor.u32 $0x100, s8;
	s9 =	sshrl.u32 s9, $0x3  }
0xa: {  	s11 =	sshll.u32 s8, $0x2;
	s6 =	sadd.s32 s7, s6;
	s25 =	sadd.s32 s0, s9  }
0xb: {  	s6 =	sshrl.u32 s6, $0x3;
	s26 =	sadd.s32 s4, s9;
	[dreg:$0x5] =	wrdreg s25  }
0xc: {  	s10 =	sor.u32 s10, s11;
	s6 =	sadd.s32 s1, s6;
	[dreg:$0x7] =	wrdreg s26  }
0xd: {  	s10 =	sshrl.u32 s10, $0x3;
	s26 =	simm.s32 $0x100;
	[dreg:$0x18] =	wrdreg s6  }
0xe: {  	s0 =	sadd.s32 s0, s10;
	[dreg:$0x17] =	wrdreg s26  }
0xf: {  	s4 =	sadd.s32 $0xC00, s6;
	[dreg:$0x6] =	wrdreg s0  }
0x10: {  	s9 =	sadd.s32 $0x1800, s6;
	[dreg:$0x8] =	wrdreg s4  }
0x11: {  	s10 =	sadd.s32 $0x2400, s6;
	[dreg:$0x9] =	wrdreg s9  }
0x12: {  	s29 =	simm.s32 $0x7;
	s12 =	sadd.s32 $0x3000, s6;
	[dreg:$0xa] =	wrdreg s10  }
0x13: {  	s30 =	simm.s32 $0x3;
	s13 =	sadd.s32 $0x3C00, s6;
	[dreg:$0xb] =	wrdreg s12  }
0x14: {  	s31 =	simm.s32 $0x8;
	s14 =	sadd.s32 $0x4800, s6;
	[dreg:$0xc] =	wrdreg s13  }
0x15: {  	s28 =	simm.s32 $0x18200;
	s15 =	sadd.s32 $0x5400, s6;
	[dreg:$0xd] =	wrdreg s14  }
0x16: {  	s20 =	ssub.s32 $0x2, s5;
	s17 =	sadd.s32 $0x6C00, s6;
	[dreg:$0xe] =	wrdreg s15  }
0x17: {  	s22 =	sshrl.u32 s20, $0x1;
	s18 =	sadd.s32 $0x7800, s6;
	[dreg:$0x10] =	wrdreg s17  }
0x18: {  	s5 =	sadd.s32 $0x100, s2;
	s19 =	sadd.s32 $0x8400, s6;
	[dreg:$0x11] =	wrdreg s18  }
0x19: {  	s11 =	sshrl.u32 s8, $0x3;
	s21 =	sadd.s32 $0x9000, s6;
	[dreg:$0x12] =	wrdreg s19  }
0x1a: {  	s23 =	sadd.s32 $0x9C00, s6;
	s24 =	sadd.s32 $0xA800, s6;
	[dreg:$0x13] =	wrdreg s21  }
0x1b: {  	s25 =	sadd.s32 $0xB400, s6;
	s6 =	sadd.s32 $0x200, s2;
	[dreg:$0x14] =	wrdreg s23  }
0x1c: {  	s26 =	simm.s32 $0x6;
	s4 =	smul.u32 $0x1800, s11;
	[dreg:$0x15] =	wrdreg s24  }
0x1d: {  	[dreg:$0x16] =	wrdreg s25;
	s9 =	simm.s32 $0x200;
	s25 =	simm.s32 $0x1  }
0x1e: {  	s24 =	simm.s32 $0x2;
	s0 =	simm.s32 $0x4;
	s4 =	sadd.s32 s7, s4  }
0x1f: {  	v2 =	vlaneseq.u32;
	s23 =	simm.s32 $0x5;
	s11 =	simm.s32 $0xA;
	s4 =	sshrl.u32 s4, $0x3  }
0x20: {  	vm0 =	vmmov $0xffff;
	v1 =	vshrl.u32 v2, $0x3;
	s10 =	simm.s32 $0xB;
	s16 =	sadd.s32 s1, s4;
	s1 =	ssub.s32 s20, s22  }
0x21: {  	v0 =	vand.u32 $0x7, v2;
	v2 =	vor.u32 $0x8, v2;
	v1 =	vmul.u32 $0x8, v1;
	[dreg:$0xf] =	wrdreg s16;
	s7 =	smax.u32 s1, $0x1;
	s1 =	simm.s32 $0x9  }
.LBB2_1:
0x22: {  	s12 =	rddreg [dreg:$0x5];
	s14 =	simm.s32 $0x80;
	s15 =	simm.s32 $0xC  }
0x23: {  	[tilespmem:s3], [sflag:$0xC] =	stream.strided.gather [hbm4b:s12+s14], $0x100, s9, s14, $0x38;
	[tilespmem:$0x1E200] =	vst v63  }
0x24: {  	_ =	swait.ge [sflag:s15], $0x100  }
0x25: {  	s18 =	rddreg [dreg:$0x6];
	[sflag:s15] =	ssyncset.done $0x0  }
0x26: {  	s13 =	rddreg [dreg:$0x17];
	[sflag:s15] =	ssyncadd.s32 $0xFFFFFF00  }
0x27: {  	[tilespmem:s13], [sflag:$0xB] =	stream.strided.gather [hbm4b:s18+s14], $0x100, s9, s14, $0x38;
	[tilespmem:$0x1E200] =	vst v63  }
0x28: {  	v3 =	vld [tilespmem:$0x0];
	_ =	sdelay $0x4  }
0x29: {  	v4 =	vshrl.u32 v3, $0x3  }
0x2a: {  	v4 =	vmul.u32 $0x30, v4  }
0x2b: {  	v3 =	vand.u32 $0x7, v3  }
0x2c: {  	v3 =	vor.u32 v3, v4  }
0x2d: {  	v4 =	vperm.xlane v3, v0;
	_ =	sdelay $0x1  }
0x2e: {  	v4 =	vadd.s32 v1, v4;
	_ =	sdelay $0x3  }
0x2f: {  	v3 =	vperm.xlane v3, v2  }
0x30: {  	[tilespmem:s9], [sflag:$0x1] =	stream.indirect_vreg.gather [hbm4b:s2+s3], $0x80, v4, vm0, $0xb8;
	[tilespmem:$0x1E200] =	vst v63  }
0x31: {  	s4 =	simm.s32 $0xA00;
	v3 =	vadd.s32 v1, v3  }
0x32: {  	[tilespmem:s4], [sflag:$0x1] =	stream.indirect_vreg.gather [hbm4b:s5+s3], $0x80, v4, vm0, $0xb8;
	[tilespmem:$0x1E200] =	vst v63  }
0x33: {  	s19 =	simm.s32 $0x1200  }
0x34: {  	[tilespmem:s19], [sflag:$0x1] =	stream.indirect_vreg.gather [hbm4b:s6+s3], $0x80, v4, vm0, $0xb8;
	[tilespmem:$0x1E200] =	vst v63  }
0x35: {  	s20 =	simm.s32 $0x1A00  }
0x36: {  	[tilespmem:s20], [sflag:$0x1] =	stream.indirect_vreg.gather [hbm4b:s2+s3], $0x80, v3, vm0, $0xb8;
	[tilespmem:$0x1E200] =	vst v63  }
0x37: {  	s21 =	simm.s32 $0x2200  }
0x38: {  	[tilespmem:s21], [sflag:$0x1] =	stream.indirect_vreg.gather [hbm4b:s5+s3], $0x80, v3, vm0, $0xb8;
	[tilespmem:$0x1E200] =	vst v63  }
0x39: {  	s22 =	simm.s32 $0x2A00  }
0x3a: {  	[tilespmem:s22], [sflag:$0x1] =	stream.indirect_vreg.gather [hbm4b:s6+s3], $0x80, v3, vm0, $0xb8;
	[tilespmem:$0x1E200] =	vst v63  }
0x3b: {  	v3 =	vld [tilespmem:$0x10];
	_ =	sdelay $0x4  }
0x3c: {  	v33 =	vshrl.u32 v3, $0x3  }
0x3d: {  	v4 =	vmul.u32 $0x30, v33  }
0x3e: {  	v3 =	vand.u32 $0x7, v3  }
0x3f: {  	v3 =	vor.u32 v3, v4  }
0x40: {  	v4 =	vperm.xlane v3, v0;
	_ =	sdelay $0x1  }
0x41: {  	v4 =	vadd.s32 v1, v4;
	_ =	sdelay $0x3  }
0x42: {  	s8 =	simm.s32 $0x3200;
	v3 =	vperm.xlane v3, v2  }
0x43: {  	[tilespmem:s8], [sflag:$0x1] =	stream.indirect_vreg.gather [hbm4b:s2+s3], $0x80, v4, vm0, $0xb8;
	[tilespmem:$0x1E200] =	vst v63  }
0x44: {  	s12 =	simm.s32 $0x3A00;
	v3 =	vadd.s32 v1, v3  }
0x45: {  	[tilespmem:s12], [sflag:$0x1] =	stream.indirect_vreg.gather [hbm4b:s5+s3], $0x80, v4, vm0, $0xb8;
	[tilespmem:$0x1E200] =	vst v63  }
0x46: {  	s13 =	simm.s32 $0x4200  }
0x47: {  	[tilespmem:s13], [sflag:$0x1] =	stream.indirect_vreg.gather [hbm4b:s6+s3], $0x80, v4, vm0, $0xb8;
	[tilespmem:$0x1E200] =	vst v63  }
0x48: {  	s15 =	simm.s32 $0x4A00  }
0x49: {  	[tilespmem:s15], [sflag:$0x1] =	stream.indirect_vreg.gather [hbm4b:s2+s3], $0x80, v3, vm0, $0xb8;
	[tilespmem:$0x1E200] =	vst v63  }
0x4a: {  	s16 =	simm.s32 $0x5200  }
0x4b: {  	[tilespmem:s16], [sflag:$0x1] =	stream.indirect_vreg.gather [hbm4b:s5+s3], $0x80, v3, vm0, $0xb8;
	[tilespmem:$0x1E200] =	vst v63  }
0x4c: {  	s17 =	simm.s32 $0x5A00  }
0x4d: {  	[tilespmem:s17], [sflag:$0x1] =	stream.indirect_vreg.gather [hbm4b:s6+s3], $0x80, v3, vm0, $0xb8;
	[tilespmem:$0x1E200] =	vst v63  }
0x4e: {  	v3 =	vld [tilespmem:$0x20];
	_ =	sdelay $0x4  }
0x4f: {  	v34 =	vshrl.u32 v3, $0x3  }
0x50: {  	v4 =	vmul.u32 $0x30, v34  }
0x51: {  	v3 =	vand.u32 $0x7, v3  }
0x52: {  	v3 =	vor.u32 v3, v4  }
0x53: {  	v4 =	vperm.xlane v3, v0;
	_ =	sdelay $0x1  }
0x54: {  	v4 =	vadd.s32 v1, v4;
	_ =	sdelay $0x3  }
0x55: {  	s15 =	simm.s32 $0x6200;
	v3 =	vperm.xlane v3, v2  }
0x56: {  	[tilespmem:s15], [sflag:$0x2] =	stream.indirect_vreg.gather [hbm4b:s2+s3], $0x80, v4, vm0, $0xb8;
	[tilespmem:$0x1E200] =	vst v63  }
0x57: {  	s18 =	simm.s32 $0x6A00;
	v3 =	vadd.s32 v1, v3  }
0x58: {  	[tilespmem:s18], [sflag:$0x2] =	stream.indirect_vreg.gather [hbm4b:s5+s3], $0x80, v4, vm0, $0xb8;
	[tilespmem:$0x1E200] =	vst v63  }
0x59: {  	s21 =	simm.s32 $0x7200  }
0x5a: {  	[tilespmem:s21], [sflag:$0x2] =	stream.indirect_vreg.gather [hbm4b:s6+s3], $0x80, v4, vm0, $0xb8;
	[tilespmem:$0x1E200] =	vst v63  }
0x5b: {  	s22 =	simm.s32 $0x7A00  }
0x5c: {  	[tilespmem:s22], [sflag:$0x2] =	stream.indirect_vreg.gather [hbm4b:s2+s3], $0x80, v3, vm0, $0xb8;
	[tilespmem:$0x1E200] =	vst v63  }
0x5d: {  	s8 =	simm.s32 $0x8200  }
0x5e: {  	[tilespmem:s8], [sflag:$0x2] =	stream.indirect_vreg.gather [hbm4b:s5+s3], $0x80, v3, vm0, $0xb8;
	[tilespmem:$0x1E200] =	vst v63  }
0x5f: {  	s12 =	simm.s32 $0x8A00  }
0x60: {  	[tilespmem:s12], [sflag:$0x2] =	stream.indirect_vreg.gather [hbm4b:s6+s3], $0x80, v3, vm0, $0xb8;
	[tilespmem:$0x1E200] =	vst v63  }
0x61: {  	v3 =	vld [tilespmem:$0x30];
	_ =	sdelay $0x4  }
0x62: {  	v35 =	vshrl.u32 v3, $0x3  }
0x63: {  	v4 =	vmul.u32 $0x30, v35  }
0x64: {  	v3 =	vand.u32 $0x7, v3  }
0x65: {  	v3 =	vor.u32 v3, v4  }
0x66: {  	v4 =	vperm.xlane v3, v0;
	_ =	sdelay $0x1  }
0x67: {  	v4 =	vadd.s32 v1, v4;
	_ =	sdelay $0x3  }
0x68: {  	s13 =	simm.s32 $0x9200;
	v3 =	vperm.xlane v3, v2  }
0x69: {  	[tilespmem:s13], [sflag:$0x2] =	stream.indirect_vreg.gather [hbm4b:s2+s3], $0x80, v4, vm0, $0xb8;
	[tilespmem:$0x1E200] =	vst v63  }
0x6a: {  	s16 =	simm.s32 $0x9A00;
	v3 =	vadd.s32 v1, v3  }
0x6b: {  	[tilespmem:s16], [sflag:$0x2] =	stream.indirect_vreg.gather [hbm4b:s5+s3], $0x80, v4, vm0, $0xb8;
	[tilespmem:$0x1E200] =	vst v63  }
0x6c: {  	s17 =	simm.s32 $0xA200  }
0x6d: {  	[tilespmem:s17], [sflag:$0x2] =	stream.indirect_vreg.gather [hbm4b:s6+s3], $0x80, v4, vm0, $0xb8;
	[tilespmem:$0x1E200] =	vst v63  }
0x6e: {  	s18 =	simm.s32 $0xAA00  }
0x6f: {  	[tilespmem:s18], [sflag:$0x2] =	stream.indirect_vreg.gather [hbm4b:s2+s3], $0x80, v3, vm0, $0xb8;
	[tilespmem:$0x1E200] =	vst v63  }
0x70: {  	s21 =	simm.s32 $0xB200  }
0x71: {  	[tilespmem:s21], [sflag:$0x2] =	stream.indirect_vreg.gather [hbm4b:s5+s3], $0x80, v3, vm0, $0xb8;
	[tilespmem:$0x1E200] =	vst v63  }
0x72: {  	s22 =	simm.s32 $0xBA00  }
0x73: {  	[tilespmem:s22], [sflag:$0x2] =	stream.indirect_vreg.gather [hbm4b:s6+s3], $0x80, v3, vm0, $0xb8;
	[tilespmem:$0x1E200] =	vst v63  }
0x74: {  	v3 =	vld [tilespmem:$0x40];
	_ =	sdelay $0x4  }
0x75: {  	v36 =	vshrl.u32 v3, $0x3  }
0x76: {  	v4 =	vmul.u32 $0x30, v36  }
0x77: {  	v3 =	vand.u32 $0x7, v3  }
0x78: {  	v3 =	vor.u32 v3, v4  }
0x79: {  	v4 =	vperm.xlane v3, v0;
	_ =	sdelay $0x1  }
0x7a: {  	v4 =	vadd.s32 v1, v4;
	_ =	sdelay $0x3  }
0x7b: {  	s13 =	simm.s32 $0xC200;
	v3 =	vperm.xlane v3, v2  }
0x7c: {  	[tilespmem:s13], [sflag:$0x3] =	stream.indirect_vreg.gather [hbm4b:s2+s3], $0x80, v4, vm0, $0xb8;
	[tilespmem:$0x1E200] =	vst v63  }
0x7d: {  	s8 =	simm.s32 $0xCA00;
	v3 =	vadd.s32 v1, v3  }
0x7e: {  	[tilespmem:s8], [sflag:$0x3] =	stream.indirect_vreg.gather [hbm4b:s5+s3], $0x80, v4, vm0, $0xb8;
	[tilespmem:$0x1E200] =	vst v63  }
0x7f: {  	s12 =	simm.s32 $0xD200  }
0x80: {  	[tilespmem:s12], [sflag:$0x3] =	stream.indirect_vreg.gather [hbm4b:s6+s3], $0x80, v4, vm0, $0xb8;
	[tilespmem:$0x1E200] =	vst v63  }
0x81: {  	s16 =	simm.s32 $0xDA00  }
0x82: {  	[tilespmem:s16], [sflag:$0x3] =	stream.indirect_vreg.gather [hbm4b:s2+s3], $0x80, v3, vm0, $0xb8;
	[tilespmem:$0x1E200] =	vst v63  }
0x83: {  	s17 =	simm.s32 $0xE200  }
0x84: {  	[tilespmem:s17], [sflag:$0x3] =	stream.indirect_vreg.gather [hbm4b:s5+s3], $0x80, v3, vm0, $0xb8;
	[tilespmem:$0x1E200] =	vst v63  }
0x85: {  	s18 =	simm.s32 $0xEA00  }
0x86: {  	[tilespmem:s18], [sflag:$0x3] =	stream.indirect_vreg.gather [hbm4b:s6+s3], $0x80, v3, vm0, $0xb8;
	[tilespmem:$0x1E200] =	vst v63  }
0x87: {  	v3 =	vld [tilespmem:$0x50];
	_ =	sdelay $0x4  }
0x88: {  	v37 =	vshrl.u32 v3, $0x3  }
0x89: {  	v4 =	vmul.u32 $0x30, v37  }
0x8a: {  	v3 =	vand.u32 $0x7, v3  }
0x8b: {  	v3 =	vor.u32 v3, v4  }
0x8c: {  	v4 =	vperm.xlane v3, v0;
	_ =	sdelay $0x1  }
0x8d: {  	v4 =	vadd.s32 v1, v4;
	_ =	sdelay $0x3  }
0x8e: {  	s21 =	simm.s32 $0xF200;
	v3 =	vperm.xlane v3, v2  }
0x8f: {  	[tilespmem:s21], [sflag:$0x3] =	stream.indirect_vreg.gather [hbm4b:s2+s3], $0x80, v4, vm0, $0xb8;
	[tilespmem:$0x1E200] =	vst v63  }
0x90: {  	s22 =	simm.s32 $0xFA00;
	v3 =	vadd.s32 v1, v3  }
0x91: {  	[tilespmem:s22], [sflag:$0x3] =	stream.indirect_vreg.gather [hbm4b:s5+s3], $0x80, v4, vm0, $0xb8;
	[tilespmem:$0x1E200] =	vst v63  }
0x92: {  	s8 =	simm.s32 $0x10200  }
0x93: {  	[tilespmem:s8], [sflag:$0x3] =	stream.indirect_vreg.gather [hbm4b:s6+s3], $0x80, v4, vm0, $0xb8;
	[tilespmem:$0x1E200] =	vst v63  }
0x94: {  	s12 =	simm.s32 $0x10A00  }
0x95: {  	[tilespmem:s12], [sflag:$0x3] =	stream.indirect_vreg.gather [hbm4b:s2+s3], $0x80, v3, vm0, $0xb8;
	[tilespmem:$0x1E200] =	vst v63  }
0x96: {  	s16 =	simm.s32 $0x11200  }
0x97: {  	[tilespmem:s16], [sflag:$0x3] =	stream.indirect_vreg.gather [hbm4b:s5+s3], $0x80, v3, vm0, $0xb8;
	[tilespmem:$0x1E200] =	vst v63  }
0x98: {  	s17 =	simm.s32 $0x11A00  }
0x99: {  	[tilespmem:s17], [sflag:$0x3] =	stream.indirect_vreg.gather [hbm4b:s6+s3], $0x80, v3, vm0, $0xb8;
	[tilespmem:$0x1E200] =	vst v63  }
0x9a: {  	v3 =	vld [tilespmem:$0x60];
	_ =	sdelay $0x4  }
0x9b: {  	v38 =	vshrl.u32 v3, $0x3  }
0x9c: {  	v4 =	vmul.u32 $0x30, v38  }
0x9d: {  	v3 =	vand.u32 $0x7, v3  }
0x9e: {  	v3 =	vor.u32 v3, v4  }
0x9f: {  	v4 =	vperm.xlane v3, v0;
	_ =	sdelay $0x1  }
0xa0: {  	v4 =	vadd.s32 v1, v4;
	_ =	sdelay $0x3  }
0xa1: {  	s4 =	simm.s32 $0x12200;
	v3 =	vperm.xlane v3, v2  }
0xa2: {  	[tilespmem:s4], [sflag:$0x4] =	stream.indirect_vreg.gather [hbm4b:s2+s3], $0x80, v4, vm0, $0xb8;
	[tilespmem:$0x1E200] =	vst v63  }
0xa3: {  	s8 =	simm.s32 $0x12A00;
	v3 =	vadd.s32 v1, v3  }
0xa4: {  	[tilespmem:s8], [sflag:$0x4] =	stream.indirect_vreg.gather [hbm4b:s5+s3], $0x80, v4, vm0, $0xb8;
	[tilespmem:$0x1E200] =	vst v63  }
0xa5: {  	s18 =	simm.s32 $0x13200  }
0xa6: {  	[tilespmem:s18], [sflag:$0x4] =	stream.indirect_vreg.gather [hbm4b:s6+s3], $0x80, v4, vm0, $0xb8;
	[tilespmem:$0x1E200] =	vst v63  }
0xa7: {  	s21 =	simm.s32 $0x13A00  }
0xa8: {  	[tilespmem:s21], [sflag:$0x4] =	stream.indirect_vreg.gather [hbm4b:s2+s3], $0x80, v3, vm0, $0xb8;
	[tilespmem:$0x1E200] =	vst v63  }
0xa9: {  	s22 =	simm.s32 $0x14200  }
0xaa: {  	[tilespmem:s22], [sflag:$0x4] =	stream.indirect_vreg.gather [hbm4b:s5+s3], $0x80, v3, vm0, $0xb8;
	[tilespmem:$0x1E200] =	vst v63  }
0xab: {  	s12 =	simm.s32 $0x14A00  }
0xac: {  	[tilespmem:s12], [sflag:$0x4] =	stream.indirect_vreg.gather [hbm4b:s6+s3], $0x80, v3, vm0, $0xb8;
	[tilespmem:$0x1E200] =	vst v63  }
0xad: {  	v3 =	vld [tilespmem:$0x70];
	_ =	sdelay $0x4  }
0xae: {  	v39 =	vshrl.u32 v3, $0x3  }
0xaf: {  	v4 =	vmul.u32 $0x30, v39  }
0xb0: {  	v3 =	vand.u32 $0x7, v3  }
0xb1: {  	v3 =	vor.u32 v3, v4  }
0xb2: {  	v4 =	vperm.xlane v3, v0;
	_ =	sdelay $0x1  }
0xb3: {  	v4 =	vadd.s32 v1, v4;
	_ =	sdelay $0x3  }
0xb4: {  	s16 =	simm.s32 $0x15200;
	v3 =	vperm.xlane v3, v2  }
0xb5: {  	[tilespmem:s16], [sflag:$0x4] =	stream.indirect_vreg.gather [hbm4b:s2+s3], $0x80, v4, vm0, $0xb8;
	[tilespmem:$0x1E200] =	vst v63  }
0xb6: {  	s17 =	simm.s32 $0x15A00;
	v3 =	vadd.s32 v1, v3  }
0xb7: {  	[tilespmem:s17], [sflag:$0x4] =	stream.indirect_vreg.gather [hbm4b:s5+s3], $0x80, v4, vm0, $0xb8;
	[tilespmem:$0x1E200] =	vst v63  }
0xb8: {  	s18 =	simm.s32 $0x16200  }
0xb9: {  	[tilespmem:s18], [sflag:$0x4] =	stream.indirect_vreg.gather [hbm4b:s6+s3], $0x80, v4, vm0, $0xb8;
	[tilespmem:$0x1E200] =	vst v63  }
0xba: {  	s21 =	simm.s32 $0x16A00  }
0xbb: {  	[tilespmem:s21], [sflag:$0x4] =	stream.indirect_vreg.gather [hbm4b:s2+s3], $0x80, v3, vm0, $0xb8;
	[tilespmem:$0x1E200] =	vst v63  }
0xbc: {  	s22 =	simm.s32 $0x17200  }
0xbd: {  	[tilespmem:s22], [sflag:$0x4] =	stream.indirect_vreg.gather [hbm4b:s5+s3], $0x80, v3, vm0, $0xb8;
	[tilespmem:$0x1E200] =	vst v63  }
0xbe: {  	s12 =	simm.s32 $0x17A00  }
0xbf: {  	[tilespmem:s12], [sflag:$0x4] =	stream.indirect_vreg.gather [hbm4b:s6+s3], $0x80, v3, vm0, $0xb8;
	[tilespmem:$0x1E200] =	vst v63  }
0xc0: {  	v3 =	vld [tilespmem:$0x80];
	_ =	sdelay $0x4  }
0xc1: {  	v40 =	vshrl.u32 v3, $0x3  }
0xc2: {  	v4 =	vmul.u32 $0x30, v40  }
0xc3: {  	v3 =	vand.u32 $0x7, v3  }
0xc4: {  	v3 =	vor.u32 v3, v4  }
0xc5: {  	v4 =	vperm.xlane v3, v0;
	_ =	sdelay $0x1  }
0xc6: {  	v4 =	vadd.s32 v1, v4;
	_ =	sdelay $0x3  }
0xc7: {  	v3 =	vperm.xlane v3, v2  }
0xc8: {  	[tilespmem:s28], [sflag:$0x5] =	stream.indirect_vreg.gather [hbm4b:s2+s3], $0x80, v4, vm0, $0xb8;
	[tilespmem:$0x1E200] =	vst v63  }
0xc9: {  	s16 =	simm.s32 $0x18A00;
	v3 =	vadd.s32 v1, v3  }
0xca: {  	[tilespmem:s16], [sflag:$0x5] =	stream.indirect_vreg.gather [hbm4b:s5+s3], $0x80, v4, vm0, $0xb8;
	[tilespmem:$0x1E200] =	vst v63  }
0xcb: {  	s17 =	simm.s32 $0x19200  }
0xcc: {  	[tilespmem:s17], [sflag:$0x5] =	stream.indirect_vreg.gather [hbm4b:s6+s3], $0x80, v4, vm0, $0xb8;
	[tilespmem:$0x1E200] =	vst v63  }
0xcd: {  	s18 =	simm.s32 $0x19A00  }
0xce: {  	[tilespmem:s18], [sflag:$0x5] =	stream.indirect_vreg.gather [hbm4b:s2+s3], $0x80, v3, vm0, $0xb8;
	[tilespmem:$0x1E200] =	vst v63  }
0xcf: {  	s21 =	simm.s32 $0x1A200  }
0xd0: {  	[tilespmem:s21], [sflag:$0x5] =	stream.indirect_vreg.gather [hbm4b:s5+s3], $0x80, v3, vm0, $0xb8;
	[tilespmem:$0x1E200] =	vst v63  }
0xd1: {  	s22 =	simm.s32 $0x1AA00  }
0xd2: {  	[tilespmem:s22], [sflag:$0x5] =	stream.indirect_vreg.gather [hbm4b:s6+s3], $0x80, v3, vm0, $0xb8;
	[tilespmem:$0x1E200] =	vst v63  }
0xd3: {  	v3 =	vld [tilespmem:$0x90];
	_ =	sdelay $0x4  }
0xd4: {  	v41 =	vshrl.u32 v3, $0x3  }
0xd5: {  	v4 =	vmul.u32 $0x30, v41  }
0xd6: {  	v3 =	vand.u32 $0x7, v3  }
0xd7: {  	v3 =	vor.u32 v3, v4  }
0xd8: {  	v4 =	vperm.xlane v3, v0;
	_ =	sdelay $0x1  }
0xd9: {  	v4 =	vadd.s32 v1, v4;
	_ =	sdelay $0x3  }
0xda: {  	s12 =	simm.s32 $0x1B200;
	v3 =	vperm.xlane v3, v2  }
0xdb: {  	[tilespmem:s12], [sflag:$0x5] =	stream.indirect_vreg.gather [hbm4b:s2+s3], $0x80, v4, vm0, $0xb8;
	[tilespmem:$0x1E200] =	vst v63  }
0xdc: {  	s16 =	simm.s32 $0x1BA00;
	v3 =	vadd.s32 v1, v3  }
0xdd: {  	[tilespmem:s16], [sflag:$0x5] =	stream.indirect_vreg.gather [hbm4b:s5+s3], $0x80, v4, vm0, $0xb8;
	[tilespmem:$0x1E200] =	vst v63  }
0xde: {  	s17 =	simm.s32 $0x1C200  }
0xdf: {  	[tilespmem:s17], [sflag:$0x5] =	stream.indirect_vreg.gather [hbm4b:s6+s3], $0x80, v4, vm0, $0xb8;
	[tilespmem:$0x1E200] =	vst v63  }
0xe0: {  	s18 =	simm.s32 $0x1CA00  }
0xe1: {  	[tilespmem:s18], [sflag:$0x5] =	stream.indirect_vreg.gather [hbm4b:s2+s3], $0x80, v3, vm0, $0xb8;
	[tilespmem:$0x1E200] =	vst v63  }
0xe2: {  	s21 =	simm.s32 $0x1D200  }
0xe3: {  	[tilespmem:s21], [sflag:$0x5] =	stream.indirect_vreg.gather [hbm4b:s5+s3], $0x80, v3, vm0, $0xb8;
	[tilespmem:$0x1E200] =	vst v63  }
0xe4: {  	s22 =	simm.s32 $0x1DA00  }
0xe5: {  	[tilespmem:s22], [sflag:$0x5] =	stream.indirect_vreg.gather [hbm4b:s6+s3], $0x80, v3, vm0, $0xb8;
	[tilespmem:$0x1E200] =	vst v63  }
0xe6: {  	_ =	swait.ge [sflag:s10], $0x100  }
0xe7: {  	[sflag:s10] =	ssyncset.done $0x0  }
0xe8: {  	s8 =	rddreg [dreg:$0x7];
	[sflag:s10] =	ssyncadd.s32 $0xFFFFFF00  }
0xe9: {  	[hbm4b:s8+s14] =	stream.strided.scatter [tilespmem:s3], [sflag:$0xB], $0x200, s9, s14, $0x38;
	[tilespmem:$0x1E200] =	vst v63  }
0xea: {  	_ =	swait.ge [sflag:s25], $0x6000  }
0xeb: {  	[sflag:s25] =	ssyncset.done $0x0  }
0xec: {  	s14 =	rddreg [dreg:$0x18];
	[sflag:s25] =	ssyncadd.s32 $0xFFFFA000  }
0xed: {  	[hbm4b:s14+s3] =	stream.linear.scatter [tilespmem:s9], [sflag:$0x6], $0x6000, $0x38;
	[tilespmem:$0x1E200] =	vst v63  }
0xee: {  	_ =	swait.ge [sflag:s26], $0x6000  }
0xef: {  	[sflag:s26] =	ssyncset.done $0x0  }
0xf0: {  	[sflag:s26] =	ssyncadd.s32 $0xFFFFA000  }
0xf1: {  	v3 =	vld [tilespmem:$0xA0];
	_ =	sdelay $0x4  }
0xf2: {  	v42 =	vshrl.u32 v3, $0x3  }
0xf3: {  	v4 =	vmul.u32 $0x30, v42  }
0xf4: {  	v3 =	vand.u32 $0x7, v3  }
0xf5: {  	v3 =	vor.u32 v3, v4  }
0xf6: {  	v4 =	vperm.xlane v3, v0;
	_ =	sdelay $0x1  }
0xf7: {  	v4 =	vadd.s32 v1, v4;
	_ =	sdelay $0x3  }
0xf8: {  	v3 =	vperm.xlane v3, v2  }
0xf9: {  	[tilespmem:s9], [sflag:$0x1] =	stream.indirect_vreg.gather [hbm4b:s2+s3], $0x80, v4, vm0, $0xb8;
	[tilespmem:$0x1E200] =	vst v63  }
0xfa: {  	s14 =	simm.s32 $0xA00;
	v3 =	vadd.s32 v1, v3  }
0xfb: {  	[tilespmem:s14], [sflag:$0x1] =	stream.indirect_vreg.gather [hbm4b:s5+s3], $0x80, v4, vm0, $0xb8;
	[tilespmem:$0x1E200] =	vst v63  }
0xfc: {  	s16 =	simm.s32 $0x1200  }
0xfd: {  	[tilespmem:s16], [sflag:$0x1] =	stream.indirect_vreg.gather [hbm4b:s6+s3], $0x80, v4, vm0, $0xb8;
	[tilespmem:$0x1E200] =	vst v63  }
0xfe: {  	s17 =	simm.s32 $0x1A00  }
0xff: {  	[tilespmem:s17], [sflag:$0x1] =	stream.indirect_vreg.gather [hbm4b:s2+s3], $0x80, v3, vm0, $0xb8;
	[tilespmem:$0x1E200] =	vst v63  }
0x100: {  	s18 =	simm.s32 $0x2200  }
0x101: {  	[tilespmem:s18], [sflag:$0x1] =	stream.indirect_vreg.gather [hbm4b:s5+s3], $0x80, v3, vm0, $0xb8;
	[tilespmem:$0x1E200] =	vst v63  }
0x102: {  	s19 =	simm.s32 $0x2A00  }
0x103: {  	[tilespmem:s19], [sflag:$0x1] =	stream.indirect_vreg.gather [hbm4b:s6+s3], $0x80, v3, vm0, $0xb8;
	[tilespmem:$0x1E200] =	vst v63  }
0x104: {  	v3 =	vld [tilespmem:$0xB0];
	_ =	sdelay $0x4  }
0x105: {  	v43 =	vshrl.u32 v3, $0x3  }
0x106: {  	v4 =	vmul.u32 $0x30, v43  }
0x107: {  	v3 =	vand.u32 $0x7, v3  }
0x108: {  	v3 =	vor.u32 v3, v4  }
0x109: {  	v4 =	vperm.xlane v3, v0;
	_ =	sdelay $0x1  }
0x10a: {  	v4 =	vadd.s32 v1, v4;
	_ =	sdelay $0x3  }
0x10b: {  	s20 =	simm.s32 $0x3200;
	v3 =	vperm.xlane v3, v2  }
0x10c: {  	[tilespmem:s20], [sflag:$0x1] =	stream.indirect_vreg.gather [hbm4b:s2+s3], $0x80, v4, vm0, $0xb8;
	[tilespmem:$0x1E200] =	vst v63  }
0x10d: {  	s19 =	simm.s32 $0x3A00;
	v3 =	vadd.s32 v1, v3  }
0x10e: {  	[tilespmem:s19], [sflag:$0x1] =	stream.indirect_vreg.gather [hbm4b:s5+s3], $0x80, v4, vm0, $0xb8;
	[tilespmem:$0x1E200] =	vst v63  }
0x10f: {  	s20 =	simm.s32 $0x4200  }
0x110: {  	[tilespmem:s20], [sflag:$0x1] =	stream.indirect_vreg.gather [hbm4b:s6+s3], $0x80, v4, vm0, $0xb8;
	[tilespmem:$0x1E200] =	vst v63  }
0x111: {  	s21 =	simm.s32 $0x4A00  }
0x112: {  	[tilespmem:s21], [sflag:$0x1] =	stream.indirect_vreg.gather [hbm4b:s2+s3], $0x80, v3, vm0, $0xb8;
	[tilespmem:$0x1E200] =	vst v63  }
0x113: {  	s22 =	simm.s32 $0x5200  }
0x114: {  	[tilespmem:s22], [sflag:$0x1] =	stream.indirect_vreg.gather [hbm4b:s5+s3], $0x80, v3, vm0, $0xb8;
	[tilespmem:$0x1E200] =	vst v63  }
0x115: {  	s8 =	simm.s32 $0x5A00  }
0x116: {  	[tilespmem:s8], [sflag:$0x1] =	stream.indirect_vreg.gather [hbm4b:s6+s3], $0x80, v3, vm0, $0xb8;
	[tilespmem:$0x1E200] =	vst v63  }
0x117: {  	_ =	swait.ge [sflag:s24], $0x6000  }
0x118: {  	[sflag:s24] =	ssyncset.done $0x0  }
0x119: {  	s12 =	rddreg [dreg:$0x8];
	[sflag:s24] =	ssyncadd.s32 $0xFFFFA000  }
0x11a: {  	[hbm4b:s12+s3] =	stream.linear.scatter [tilespmem:s15], [sflag:$0x7], $0x6000, $0x38;
	[tilespmem:$0x1E200] =	vst v63  }
0x11b: {  	_ =	swait.ge [sflag:s29], $0x6000  }
0x11c: {  	[sflag:s29] =	ssyncset.done $0x0  }
0x11d: {  	[sflag:s29] =	ssyncadd.s32 $0xFFFFA000  }
0x11e: {  	v3 =	vld [tilespmem:$0xC0];
	_ =	sdelay $0x4  }
0x11f: {  	v44 =	vshrl.u32 v3, $0x3  }
0x120: {  	v4 =	vmul.u32 $0x30, v44  }
0x121: {  	v3 =	vand.u32 $0x7, v3  }
0x122: {  	v3 =	vor.u32 v3, v4  }
0x123: {  	v4 =	vperm.xlane v3, v0;
	_ =	sdelay $0x1  }
0x124: {  	v4 =	vadd.s32 v1, v4;
	_ =	sdelay $0x3  }
0x125: {  	v3 =	vperm.xlane v3, v2  }
0x126: {  	[tilespmem:s15], [sflag:$0x2] =	stream.indirect_vreg.gather [hbm4b:s2+s3], $0x80, v4, vm0, $0xb8;
	[tilespmem:$0x1E200] =	vst v63  }
0x127: {  	s12 =	simm.s32 $0x6A00;
	v3 =	vadd.s32 v1, v3  }
0x128: {  	[tilespmem:s12], [sflag:$0x2] =	stream.indirect_vreg.gather [hbm4b:s5+s3], $0x80, v4, vm0, $0xb8;
	[tilespmem:$0x1E200] =	vst v63  }
0x129: {  	s12 =	simm.s32 $0x7200  }
0x12a: {  	[tilespmem:s12], [sflag:$0x2] =	stream.indirect_vreg.gather [hbm4b:s6+s3], $0x80, v4, vm0, $0xb8;
	[tilespmem:$0x1E200] =	vst v63  }
0x12b: {  	s12 =	simm.s32 $0x7A00  }
0x12c: {  	[tilespmem:s12], [sflag:$0x2] =	stream.indirect_vreg.gather [hbm4b:s2+s3], $0x80, v3, vm0, $0xb8;
	[tilespmem:$0x1E200] =	vst v63  }
0x12d: {  	s12 =	simm.s32 $0x8200  }
0x12e: {  	[tilespmem:s12], [sflag:$0x2] =	stream.indirect_vreg.gather [hbm4b:s5+s3], $0x80, v3, vm0, $0xb8;
	[tilespmem:$0x1E200] =	vst v63  }
0x12f: {  	s12 =	simm.s32 $0x8A00  }
0x130: {  	[tilespmem:s12], [sflag:$0x2] =	stream.indirect_vreg.gather [hbm4b:s6+s3], $0x80, v3, vm0, $0xb8;
	[tilespmem:$0x1E200] =	vst v63  }
0x131: {  	v3 =	vld [tilespmem:$0xD0];
	_ =	sdelay $0x4  }
0x132: {  	v45 =	vshrl.u32 v3, $0x3  }
0x133: {  	v4 =	vmul.u32 $0x30, v45  }
0x134: {  	v3 =	vand.u32 $0x7, v3  }
0x135: {  	v3 =	vor.u32 v3, v4  }
0x136: {  	v4 =	vperm.xlane v3, v0;
	_ =	sdelay $0x1  }
0x137: {  	v4 =	vadd.s32 v1, v4;
	_ =	sdelay $0x3  }
0x138: {  	s12 =	simm.s32 $0x9200;
	v3 =	vperm.xlane v3, v2  }
0x139: {  	[tilespmem:s12], [sflag:$0x2] =	stream.indirect_vreg.gather [hbm4b:s2+s3], $0x80, v4, vm0, $0xb8;
	[tilespmem:$0x1E200] =	vst v63  }
0x13a: {  	v3 =	vadd.s32 v1, v3;
	s12 =	simm.s32 $0x9A00  }
0x13b: {  	[tilespmem:s12], [sflag:$0x2] =	stream.indirect_vreg.gather [hbm4b:s5+s3], $0x80, v4, vm0, $0xb8;
	[tilespmem:$0x1E200] =	vst v63  }
0x13c: {  	s12 =	simm.s32 $0xA200  }
0x13d: {  	[tilespmem:s12], [sflag:$0x2] =	stream.indirect_vreg.gather [hbm4b:s6+s3], $0x80, v4, vm0, $0xb8;
	[tilespmem:$0x1E200] =	vst v63  }
0x13e: {  	s12 =	simm.s32 $0xAA00  }
0x13f: {  	[tilespmem:s12], [sflag:$0x2] =	stream.indirect_vreg.gather [hbm4b:s2+s3], $0x80, v3, vm0, $0xb8;
	[tilespmem:$0x1E200] =	vst v63  }
0x140: {  	s12 =	simm.s32 $0xB200  }
0x141: {  	[tilespmem:s12], [sflag:$0x2] =	stream.indirect_vreg.gather [hbm4b:s5+s3], $0x80, v3, vm0, $0xb8;
	[tilespmem:$0x1E200] =	vst v63  }
0x142: {  	s12 =	simm.s32 $0xBA00  }
0x143: {  	[tilespmem:s12], [sflag:$0x2] =	stream.indirect_vreg.gather [hbm4b:s6+s3], $0x80, v3, vm0, $0xb8;
	[tilespmem:$0x1E200] =	vst v63  }
0x144: {  	_ =	swait.ge [sflag:s30], $0x6000  }
0x145: {  	[sflag:s30] =	ssyncset.done $0x0  }
0x146: {  	s12 =	rddreg [dreg:$0x9];
	[sflag:s30] =	ssyncadd.s32 $0xFFFFA000  }
0x147: {  	[hbm4b:s12+s3] =	stream.linear.scatter [tilespmem:s13], [sflag:$0x8], $0x6000, $0x38;
	[tilespmem:$0x1E200] =	vst v63  }
0x148: {  	_ =	swait.ge [sflag:s31], $0x6000  }
0x149: {  	[sflag:s31] =	ssyncset.done $0x0  }
0x14a: {  	[sflag:s31] =	ssyncadd.s32 $0xFFFFA000  }
0x14b: {  	v3 =	vld [tilespmem:$0xE0];
	_ =	sdelay $0x4  }
0x14c: {  	v46 =	vshrl.u32 v3, $0x3  }
0x14d: {  	v4 =	vmul.u32 $0x30, v46  }
0x14e: {  	v3 =	vand.u32 $0x7, v3  }
0x14f: {  	v3 =	vor.u32 v3, v4  }
0x150: {  	v4 =	vperm.xlane v3, v0;
	_ =	sdelay $0x1  }
0x151: {  	v4 =	vadd.s32 v1, v4;
	_ =	sdelay $0x3  }
0x152: {  	v3 =	vperm.xlane v3, v2  }
0x153: {  	[tilespmem:s13], [sflag:$0x3] =	stream.indirect_vreg.gather [hbm4b:s2+s3], $0x80, v4, vm0, $0xb8;
	[tilespmem:$0x1E200] =	vst v63  }
0x154: {  	s12 =	simm.s32 $0xCA00;
	v3 =	vadd.s32 v1, v3  }
0x155: {  	[tilespmem:s12], [sflag:$0x3] =	stream.indirect_vreg.gather [hbm4b:s5+s3], $0x80, v4, vm0, $0xb8;
	[tilespmem:$0x1E200] =	vst v63  }
0x156: {  	s12 =	simm.s32 $0xD200  }
0x157: {  	[tilespmem:s12], [sflag:$0x3] =	stream.indirect_vreg.gather [hbm4b:s6+s3], $0x80, v4, vm0, $0xb8;
	[tilespmem:$0x1E200] =	vst v63  }
0x158: {  	s12 =	simm.s32 $0xDA00  }
0x159: {  	[tilespmem:s12], [sflag:$0x3] =	stream.indirect_vreg.gather [hbm4b:s2+s3], $0x80, v3, vm0, $0xb8;
	[tilespmem:$0x1E200] =	vst v63  }
0x15a: {  	s12 =	simm.s32 $0xE200  }
0x15b: {  	[tilespmem:s12], [sflag:$0x3] =	stream.indirect_vreg.gather [hbm4b:s5+s3], $0x80, v3, vm0, $0xb8;
	[tilespmem:$0x1E200] =	vst v63  }
0x15c: {  	s12 =	simm.s32 $0xEA00  }
0x15d: {  	[tilespmem:s12], [sflag:$0x3] =	stream.indirect_vreg.gather [hbm4b:s6+s3], $0x80, v3, vm0, $0xb8;
	[tilespmem:$0x1E200] =	vst v63  }
0x15e: {  	v3 =	vld [tilespmem:$0xF0];
	_ =	sdelay $0x4  }
0x15f: {  	v47 =	vshrl.u32 v3, $0x3  }
0x160: {  	v4 =	vmul.u32 $0x30, v47  }
0x161: {  	v3 =	vand.u32 $0x7, v3  }
0x162: {  	v3 =	vor.u32 v3, v4  }
0x163: {  	v4 =	vperm.xlane v3, v0;
	_ =	sdelay $0x1  }
0x164: {  	v4 =	vadd.s32 v1, v4;
	_ =	sdelay $0x3  }
0x165: {  	s12 =	simm.s32 $0xF200;
	v3 =	vperm.xlane v3, v2  }
0x166: {  	[tilespmem:s12], [sflag:$0x3] =	stream.indirect_vreg.gather [hbm4b:s2+s3], $0x80, v4, vm0, $0xb8;
	[tilespmem:$0x1E200] =	vst v63  }
0x167: {  	v3 =	vadd.s32 v1, v3;
	s12 =	simm.s32 $0xFA00  }
0x168: {  	[tilespmem:s12], [sflag:$0x3] =	stream.indirect_vreg.gather [hbm4b:s5+s3], $0x80, v4, vm0, $0xb8;
	[tilespmem:$0x1E200] =	vst v63  }
0x169: {  	s12 =	simm.s32 $0x10200  }
0x16a: {  	[tilespmem:s12], [sflag:$0x3] =	stream.indirect_vreg.gather [hbm4b:s6+s3], $0x80, v4, vm0, $0xb8;
	[tilespmem:$0x1E200] =	vst v63  }
0x16b: {  	s12 =	simm.s32 $0x10A00  }
0x16c: {  	[tilespmem:s12], [sflag:$0x3] =	stream.indirect_vreg.gather [hbm4b:s2+s3], $0x80, v3, vm0, $0xb8;
	[tilespmem:$0x1E200] =	vst v63  }
0x16d: {  	s12 =	simm.s32 $0x11200  }
0x16e: {  	[tilespmem:s12], [sflag:$0x3] =	stream.indirect_vreg.gather [hbm4b:s5+s3], $0x80, v3, vm0, $0xb8;
	[tilespmem:$0x1E200] =	vst v63  }
0x16f: {  	s12 =	simm.s32 $0x11A00  }
0x170: {  	[tilespmem:s12], [sflag:$0x3] =	stream.indirect_vreg.gather [hbm4b:s6+s3], $0x80, v3, vm0, $0xb8;
	[tilespmem:$0x1E200] =	vst v63  }
0x171: {  	_ =	swait.ge [sflag:s0], $0x6000  }
0x172: {  	[sflag:s0] =	ssyncset.done $0x0  }
0x173: {  	s12 =	rddreg [dreg:$0xa];
	[sflag:s0] =	ssyncadd.s32 $0xFFFFA000  }
0x174: {  	[hbm4b:s12+s3] =	stream.linear.scatter [tilespmem:s4], [sflag:$0x9], $0x6000, $0x38;
	[tilespmem:$0x1E200] =	vst v63  }
0x175: {  	_ =	swait.ge [sflag:s1], $0x6000  }
0x176: {  	[sflag:s1] =	ssyncset.done $0x0  }
0x177: {  	[sflag:s1] =	ssyncadd.s32 $0xFFFFA000  }
0x178: {  	v3 =	vld [tilespmem:$0x100];
	_ =	sdelay $0x4  }
0x179: {  	v48 =	vshrl.u32 v3, $0x3  }
0x17a: {  	v4 =	vmul.u32 $0x30, v48  }
0x17b: {  	v3 =	vand.u32 $0x7, v3  }
0x17c: {  	v3 =	vor.u32 v3, v4  }
0x17d: {  	v4 =	vperm.xlane v3, v0;
	_ =	sdelay $0x1  }
0x17e: {  	v4 =	vadd.s32 v1, v4;
	_ =	sdelay $0x3  }
0x17f: {  	v3 =	vperm.xlane v3, v2  }
0x180: {  	[tilespmem:s4], [sflag:$0x4] =	stream.indirect_vreg.gather [hbm4b:s2+s3], $0x80, v4, vm0, $0xb8;
	[tilespmem:$0x1E200] =	vst v63  }
0x181: {  	s12 =	simm.s32 $0x12A00;
	v3 =	vadd.s32 v1, v3  }
0x182: {  	[tilespmem:s12], [sflag:$0x4] =	stream.indirect_vreg.gather [hbm4b:s5+s3], $0x80, v4, vm0, $0xb8;
	[tilespmem:$0x1E200] =	vst v63  }
0x183: {  	s12 =	simm.s32 $0x13200  }
0x184: {  	[tilespmem:s12], [sflag:$0x4] =	stream.indirect_vreg.gather [hbm4b:s6+s3], $0x80, v4, vm0, $0xb8;
	[tilespmem:$0x1E200] =	vst v63  }
0x185: {  	s12 =	simm.s32 $0x13A00  }
0x186: {  	[tilespmem:s12], [sflag:$0x4] =	stream.indirect_vreg.gather [hbm4b:s2+s3], $0x80, v3, vm0, $0xb8;
	[tilespmem:$0x1E200] =	vst v63  }
0x187: {  	s12 =	simm.s32 $0x14200  }
0x188: {  	[tilespmem:s12], [sflag:$0x4] =	stream.indirect_vreg.gather [hbm4b:s5+s3], $0x80, v3, vm0, $0xb8;
	[tilespmem:$0x1E200] =	vst v63  }
0x189: {  	s12 =	simm.s32 $0x14A00  }
0x18a: {  	[tilespmem:s12], [sflag:$0x4] =	stream.indirect_vreg.gather [hbm4b:s6+s3], $0x80, v3, vm0, $0xb8;
	[tilespmem:$0x1E200] =	vst v63  }
0x18b: {  	v3 =	vld [tilespmem:$0x110];
	_ =	sdelay $0x4  }
0x18c: {  	v49 =	vshrl.u32 v3, $0x3  }
0x18d: {  	v4 =	vmul.u32 $0x30, v49  }
0x18e: {  	v3 =	vand.u32 $0x7, v3  }
0x18f: {  	v3 =	vor.u32 v3, v4  }
0x190: {  	v4 =	vperm.xlane v3, v0;
	_ =	sdelay $0x1  }
0x191: {  	v4 =	vadd.s32 v1, v4;
	_ =	sdelay $0x3  }
0x192: {  	s12 =	simm.s32 $0x15200;
	v3 =	vperm.xlane v3, v2  }
0x193: {  	[tilespmem:s12], [sflag:$0x4] =	stream.indirect_vreg.gather [hbm4b:s2+s3], $0x80, v4, vm0, $0xb8;
	[tilespmem:$0x1E200] =	vst v63  }
0x194: {  	v3 =	vadd.s32 v1, v3;
	s12 =	simm.s32 $0x15A00  }
0x195: {  	[tilespmem:s12], [sflag:$0x4] =	stream.indirect_vreg.gather [hbm4b:s5+s3], $0x80, v4, vm0, $0xb8;
	[tilespmem:$0x1E200] =	vst v63  }
0x196: {  	s12 =	simm.s32 $0x16200  }
0x197: {  	[tilespmem:s12], [sflag:$0x4] =	stream.indirect_vreg.gather [hbm4b:s6+s3], $0x80, v4, vm0, $0xb8;
	[tilespmem:$0x1E200] =	vst v63  }
0x198: {  	s12 =	simm.s32 $0x16A00  }
0x199: {  	[tilespmem:s12], [sflag:$0x4] =	stream.indirect_vreg.gather [hbm4b:s2+s3], $0x80, v3, vm0, $0xb8;
	[tilespmem:$0x1E200] =	vst v63  }
0x19a: {  	s12 =	simm.s32 $0x17200  }
0x19b: {  	[tilespmem:s12], [sflag:$0x4] =	stream.indirect_vreg.gather [hbm4b:s5+s3], $0x80, v3, vm0, $0xb8;
	[tilespmem:$0x1E200] =	vst v63  }
0x19c: {  	s12 =	simm.s32 $0x17A00  }
0x19d: {  	[tilespmem:s12], [sflag:$0x4] =	stream.indirect_vreg.gather [hbm4b:s6+s3], $0x80, v3, vm0, $0xb8;
	[tilespmem:$0x1E200] =	vst v63  }
0x19e: {  	_ =	swait.ge [sflag:s23], $0x6000  }
0x19f: {  	[sflag:s23] =	ssyncset.done $0x0  }
0x1a0: {  	s12 =	rddreg [dreg:$0xb];
	[sflag:s23] =	ssyncadd.s32 $0xFFFFA000  }
0x1a1: {  	[hbm4b:s12+s3] =	stream.linear.scatter [tilespmem:s28], [sflag:$0xA], $0x6000, $0x38;
	[tilespmem:$0x1E200] =	vst v63  }
0x1a2: {  	_ =	swait.ge [sflag:s11], $0x6000  }
0x1a3: {  	[sflag:s11] =	ssyncset.done $0x0  }
0x1a4: {  	[sflag:s11] =	ssyncadd.s32 $0xFFFFA000  }
0x1a5: {  	v3 =	vld [tilespmem:$0x120];
	_ =	sdelay $0x4  }
0x1a6: {  	v50 =	vshrl.u32 v3, $0x3  }
0x1a7: {  	v4 =	vmul.u32 $0x30, v50  }
0x1a8: {  	v3 =	vand.u32 $0x7, v3  }
0x1a9: {  	v3 =	vor.u32 v3, v4  }
0x1aa: {  	v4 =	vperm.xlane v3, v0;
	_ =	sdelay $0x1  }
0x1ab: {  	v4 =	vadd.s32 v1, v4;
	_ =	sdelay $0x3  }
0x1ac: {  	v3 =	vperm.xlane v3, v2  }
0x1ad: {  	[tilespmem:s28], [sflag:$0x5] =	stream.indirect_vreg.gather [hbm4b:s2+s3], $0x80, v4, vm0, $0xb8;
	[tilespmem:$0x1E200] =	vst v63  }
0x1ae: {  	s12 =	simm.s32 $0x18A00;
	v3 =	vadd.s32 v1, v3  }
0x1af: {  	[tilespmem:s12], [sflag:$0x5] =	stream.indirect_vreg.gather [hbm4b:s5+s3], $0x80, v4, vm0, $0xb8;
	[tilespmem:$0x1E200] =	vst v63  }
0x1b0: {  	s12 =	simm.s32 $0x19200  }
0x1b1: {  	[tilespmem:s12], [sflag:$0x5] =	stream.indirect_vreg.gather [hbm4b:s6+s3], $0x80, v4, vm0, $0xb8;
	[tilespmem:$0x1E200] =	vst v63  }
0x1b2: {  	s12 =	simm.s32 $0x19A00  }
0x1b3: {  	[tilespmem:s12], [sflag:$0x5] =	stream.indirect_vreg.gather [hbm4b:s2+s3], $0x80, v3, vm0, $0xb8;
	[tilespmem:$0x1E200] =	vst v63  }
0x1b4: {  	s12 =	simm.s32 $0x1A200  }
0x1b5: {  	[tilespmem:s12], [sflag:$0x5] =	stream.indirect_vreg.gather [hbm4b:s5+s3], $0x80, v3, vm0, $0xb8;
	[tilespmem:$0x1E200] =	vst v63  }
0x1b6: {  	s12 =	simm.s32 $0x1AA00  }
0x1b7: {  	[tilespmem:s12], [sflag:$0x5] =	stream.indirect_vreg.gather [hbm4b:s6+s3], $0x80, v3, vm0, $0xb8;
	[tilespmem:$0x1E200] =	vst v63  }
0x1b8: {  	v3 =	vld [tilespmem:$0x130];
	_ =	sdelay $0x4  }
0x1b9: {  	v51 =	vshrl.u32 v3, $0x3  }
0x1ba: {  	v4 =	vmul.u32 $0x30, v51  }
0x1bb: {  	v3 =	vand.u32 $0x7, v3  }
0x1bc: {  	v3 =	vor.u32 v3, v4  }
0x1bd: {  	v4 =	vperm.xlane v3, v0;
	_ =	sdelay $0x1  }
0x1be: {  	v4 =	vadd.s32 v1, v4;
	_ =	sdelay $0x3  }
0x1bf: {  	s12 =	simm.s32 $0x1B200;
	v3 =	vperm.xlane v3, v2  }
0x1c0: {  	[tilespmem:s12], [sflag:$0x5] =	stream.indirect_vreg.gather [hbm4b:s2+s3], $0x80, v4, vm0, $0xb8;
	[tilespmem:$0x1E200] =	vst v63  }
0x1c1: {  	v3 =	vadd.s32 v1, v3;
	s12 =	simm.s32 $0x1BA00  }
0x1c2: {  	[tilespmem:s12], [sflag:$0x5] =	stream.indirect_vreg.gather [hbm4b:s5+s3], $0x80, v4, vm0, $0xb8;
	[tilespmem:$0x1E200] =	vst v63  }
0x1c3: {  	s12 =	simm.s32 $0x1C200  }
0x1c4: {  	[tilespmem:s12], [sflag:$0x5] =	stream.indirect_vreg.gather [hbm4b:s6+s3], $0x80, v4, vm0, $0xb8;
	[tilespmem:$0x1E200] =	vst v63  }
0x1c5: {  	s12 =	simm.s32 $0x1CA00  }
0x1c6: {  	[tilespmem:s12], [sflag:$0x5] =	stream.indirect_vreg.gather [hbm4b:s2+s3], $0x80, v3, vm0, $0xb8;
	[tilespmem:$0x1E200] =	vst v63  }
0x1c7: {  	s12 =	simm.s32 $0x1D200  }
0x1c8: {  	[tilespmem:s12], [sflag:$0x5] =	stream.indirect_vreg.gather [hbm4b:s5+s3], $0x80, v3, vm0, $0xb8;
	[tilespmem:$0x1E200] =	vst v63  }
0x1c9: {  	s12 =	simm.s32 $0x1DA00  }
0x1ca: {  	[tilespmem:s12], [sflag:$0x5] =	stream.indirect_vreg.gather [hbm4b:s6+s3], $0x80, v3, vm0, $0xb8;
	[tilespmem:$0x1E200] =	vst v63  }
0x1cb: {  	_ =	swait.ge [sflag:s25], $0x6000  }
0x1cc: {  	[sflag:s25] =	ssyncset.done $0x0  }
0x1cd: {  	s12 =	rddreg [dreg:$0xc];
	[sflag:s25] =	ssyncadd.s32 $0xFFFFA000  }
0x1ce: {  	[hbm4b:s12+s3] =	stream.linear.scatter [tilespmem:s9], [sflag:$0x6], $0x6000, $0x38;
	[tilespmem:$0x1E200] =	vst v63  }
0x1cf: {  	_ =	swait.ge [sflag:s26], $0x6000  }
0x1d0: {  	[sflag:s26] =	ssyncset.done $0x0  }
0x1d1: {  	[sflag:s26] =	ssyncadd.s32 $0xFFFFA000  }
0x1d2: {  	v3 =	vld [tilespmem:$0x140];
	_ =	sdelay $0x4  }
0x1d3: {  	v52 =	vshrl.u32 v3, $0x3  }
0x1d4: {  	v4 =	vmul.u32 $0x30, v52  }
0x1d5: {  	v3 =	vand.u32 $0x7, v3  }
0x1d6: {  	v3 =	vor.u32 v3, v4  }
0x1d7: {  	v4 =	vperm.xlane v3, v0;
	_ =	sdelay $0x1  }
0x1d8: {  	v4 =	vadd.s32 v1, v4;
	_ =	sdelay $0x3  }
0x1d9: {  	v3 =	vperm.xlane v3, v2  }
0x1da: {  	[tilespmem:s9], [sflag:$0x1] =	stream.indirect_vreg.gather [hbm4b:s2+s3], $0x80, v4, vm0, $0xb8;
	[tilespmem:$0x1E200] =	vst v63  }
0x1db: {  	v3 =	vadd.s32 v1, v3  }
0x1dc: {  	[tilespmem:s14], [sflag:$0x1] =	stream.indirect_vreg.gather [hbm4b:s5+s3], $0x80, v4, vm0, $0xb8;
	[tilespmem:$0x1E200] =	vst v63  }
0x1dd: {  	_ = 	snop  }
0x1de: {  	[tilespmem:s16], [sflag:$0x1] =	stream.indirect_vreg.gather [hbm4b:s6+s3], $0x80, v4, vm0, $0xb8;
	[tilespmem:$0x1E200] =	vst v63  }
0x1df: {  	_ = 	snop  }
0x1e0: {  	[tilespmem:s17], [sflag:$0x1] =	stream.indirect_vreg.gather [hbm4b:s2+s3], $0x80, v3, vm0, $0xb8;
	[tilespmem:$0x1E200] =	vst v63  }
0x1e1: {  	_ = 	snop  }
0x1e2: {  	[tilespmem:s18], [sflag:$0x1] =	stream.indirect_vreg.gather [hbm4b:s5+s3], $0x80, v3, vm0, $0xb8;
	[tilespmem:$0x1E200] =	vst v63  }
0x1e3: {  	s12 =	simm.s32 $0x2A00  }
0x1e4: {  	[tilespmem:s12], [sflag:$0x1] =	stream.indirect_vreg.gather [hbm4b:s6+s3], $0x80, v3, vm0, $0xb8;
	[tilespmem:$0x1E200] =	vst v63  }
0x1e5: {  	v3 =	vld [tilespmem:$0x150];
	_ =	sdelay $0x4  }
0x1e6: {  	v53 =	vshrl.u32 v3, $0x3  }
0x1e7: {  	v4 =	vmul.u32 $0x30, v53  }
0x1e8: {  	v3 =	vand.u32 $0x7, v3  }
0x1e9: {  	v3 =	vor.u32 v3, v4  }
0x1ea: {  	v4 =	vperm.xlane v3, v0;
	_ =	sdelay $0x1  }
0x1eb: {  	v4 =	vadd.s32 v1, v4;
	_ =	sdelay $0x3  }
0x1ec: {  	s12 =	simm.s32 $0x3200;
	v3 =	vperm.xlane v3, v2  }
0x1ed: {  	[tilespmem:s12], [sflag:$0x1] =	stream.indirect_vreg.gather [hbm4b:s2+s3], $0x80, v4, vm0, $0xb8;
	[tilespmem:$0x1E200] =	vst v63  }
0x1ee: {  	v3 =	vadd.s32 v1, v3  }
0x1ef: {  	[tilespmem:s19], [sflag:$0x1] =	stream.indirect_vreg.gather [hbm4b:s5+s3], $0x80, v4, vm0, $0xb8;
	[tilespmem:$0x1E200] =	vst v63  }
0x1f0: {  	_ = 	snop  }
0x1f1: {  	[tilespmem:s20], [sflag:$0x1] =	stream.indirect_vreg.gather [hbm4b:s6+s3], $0x80, v4, vm0, $0xb8;
	[tilespmem:$0x1E200] =	vst v63  }
0x1f2: {  	_ = 	snop  }
0x1f3: {  	[tilespmem:s21], [sflag:$0x1] =	stream.indirect_vreg.gather [hbm4b:s2+s3], $0x80, v3, vm0, $0xb8;
	[tilespmem:$0x1E200] =	vst v63  }
0x1f4: {  	_ = 	snop  }
0x1f5: {  	[tilespmem:s22], [sflag:$0x1] =	stream.indirect_vreg.gather [hbm4b:s5+s3], $0x80, v3, vm0, $0xb8;
	[tilespmem:$0x1E200] =	vst v63  }
0x1f6: {  	_ = 	snop  }
0x1f7: {  	[tilespmem:s8], [sflag:$0x1] =	stream.indirect_vreg.gather [hbm4b:s6+s3], $0x80, v3, vm0, $0xb8;
	[tilespmem:$0x1E200] =	vst v63  }
0x1f8: {  	_ =	swait.ge [sflag:s24], $0x6000  }
0x1f9: {  	[sflag:s24] =	ssyncset.done $0x0  }
0x1fa: {  	s12 =	rddreg [dreg:$0xd];
	[sflag:s24] =	ssyncadd.s32 $0xFFFFA000  }
0x1fb: {  	[hbm4b:s12+s3] =	stream.linear.scatter [tilespmem:s15], [sflag:$0x7], $0x6000, $0x38;
	[tilespmem:$0x1E200] =	vst v63  }
0x1fc: {  	_ =	swait.ge [sflag:s29], $0x6000  }
0x1fd: {  	[sflag:s29] =	ssyncset.done $0x0  }
0x1fe: {  	[sflag:s29] =	ssyncadd.s32 $0xFFFFA000  }
0x1ff: {  	v3 =	vld [tilespmem:$0x160];
	_ =	sdelay $0x4  }
0x200: {  	v54 =	vshrl.u32 v3, $0x3  }
0x201: {  	v4 =	vmul.u32 $0x30, v54  }
0x202: {  	v3 =	vand.u32 $0x7, v3  }
0x203: {  	v3 =	vor.u32 v3, v4  }
0x204: {  	v4 =	vperm.xlane v3, v0;
	_ =	sdelay $0x1  }
0x205: {  	v4 =	vadd.s32 v1, v4;
	_ =	sdelay $0x3  }
0x206: {  	v3 =	vperm.xlane v3, v2  }
0x207: {  	[tilespmem:s15], [sflag:$0x2] =	stream.indirect_vreg.gather [hbm4b:s2+s3], $0x80, v4, vm0, $0xb8;
	[tilespmem:$0x1E200] =	vst v63  }
0x208: {  	s12 =	simm.s32 $0x6A00;
	v3 =	vadd.s32 v1, v3  }
0x209: {  	[tilespmem:s12], [sflag:$0x2] =	stream.indirect_vreg.gather [hbm4b:s5+s3], $0x80, v4, vm0, $0xb8;
	[tilespmem:$0x1E200] =	vst v63  }
0x20a: {  	s12 =	simm.s32 $0x7200  }
0x20b: {  	[tilespmem:s12], [sflag:$0x2] =	stream.indirect_vreg.gather [hbm4b:s6+s3], $0x80, v4, vm0, $0xb8;
	[tilespmem:$0x1E200] =	vst v63  }
0x20c: {  	s12 =	simm.s32 $0x7A00  }
0x20d: {  	[tilespmem:s12], [sflag:$0x2] =	stream.indirect_vreg.gather [hbm4b:s2+s3], $0x80, v3, vm0, $0xb8;
	[tilespmem:$0x1E200] =	vst v63  }
0x20e: {  	s12 =	simm.s32 $0x8200  }
0x20f: {  	[tilespmem:s12], [sflag:$0x2] =	stream.indirect_vreg.gather [hbm4b:s5+s3], $0x80, v3, vm0, $0xb8;
	[tilespmem:$0x1E200] =	vst v63  }
0x210: {  	s12 =	simm.s32 $0x8A00  }
0x211: {  	[tilespmem:s12], [sflag:$0x2] =	stream.indirect_vreg.gather [hbm4b:s6+s3], $0x80, v3, vm0, $0xb8;
	[tilespmem:$0x1E200] =	vst v63  }
0x212: {  	v3 =	vld [tilespmem:$0x170];
	_ =	sdelay $0x4  }
0x213: {  	v55 =	vshrl.u32 v3, $0x3  }
0x214: {  	v4 =	vmul.u32 $0x30, v55  }
0x215: {  	v3 =	vand.u32 $0x7, v3  }
0x216: {  	v3 =	vor.u32 v3, v4  }
0x217: {  	v4 =	vperm.xlane v3, v0;
	_ =	sdelay $0x1  }
0x218: {  	v4 =	vadd.s32 v1, v4;
	_ =	sdelay $0x3  }
0x219: {  	s12 =	simm.s32 $0x9200;
	v3 =	vperm.xlane v3, v2  }
0x21a: {  	[tilespmem:s12], [sflag:$0x2] =	stream.indirect_vreg.gather [hbm4b:s2+s3], $0x80, v4, vm0, $0xb8;
	[tilespmem:$0x1E200] =	vst v63  }
0x21b: {  	v3 =	vadd.s32 v1, v3;
	s12 =	simm.s32 $0x9A00  }
0x21c: {  	[tilespmem:s12], [sflag:$0x2] =	stream.indirect_vreg.gather [hbm4b:s5+s3], $0x80, v4, vm0, $0xb8;
	[tilespmem:$0x1E200] =	vst v63  }
0x21d: {  	s12 =	simm.s32 $0xA200  }
0x21e: {  	[tilespmem:s12], [sflag:$0x2] =	stream.indirect_vreg.gather [hbm4b:s6+s3], $0x80, v4, vm0, $0xb8;
	[tilespmem:$0x1E200] =	vst v63  }
0x21f: {  	s12 =	simm.s32 $0xAA00  }
0x220: {  	[tilespmem:s12], [sflag:$0x2] =	stream.indirect_vreg.gather [hbm4b:s2+s3], $0x80, v3, vm0, $0xb8;
	[tilespmem:$0x1E200] =	vst v63  }
0x221: {  	s12 =	simm.s32 $0xB200  }
0x222: {  	[tilespmem:s12], [sflag:$0x2] =	stream.indirect_vreg.gather [hbm4b:s5+s3], $0x80, v3, vm0, $0xb8;
	[tilespmem:$0x1E200] =	vst v63  }
0x223: {  	s12 =	simm.s32 $0xBA00  }
0x224: {  	[tilespmem:s12], [sflag:$0x2] =	stream.indirect_vreg.gather [hbm4b:s6+s3], $0x80, v3, vm0, $0xb8;
	[tilespmem:$0x1E200] =	vst v63  }
0x225: {  	_ =	swait.ge [sflag:s30], $0x6000  }
0x226: {  	[sflag:s30] =	ssyncset.done $0x0  }
0x227: {  	s12 =	rddreg [dreg:$0xe];
	[sflag:s30] =	ssyncadd.s32 $0xFFFFA000  }
0x228: {  	[hbm4b:s12+s3] =	stream.linear.scatter [tilespmem:s13], [sflag:$0x8], $0x6000, $0x38;
	[tilespmem:$0x1E200] =	vst v63  }
0x229: {  	_ =	swait.ge [sflag:s31], $0x6000  }
0x22a: {  	[sflag:s31] =	ssyncset.done $0x0  }
0x22b: {  	[sflag:s31] =	ssyncadd.s32 $0xFFFFA000  }
0x22c: {  	v3 =	vld [tilespmem:$0x180];
	_ =	sdelay $0x4  }
0x22d: {  	v56 =	vshrl.u32 v3, $0x3  }
0x22e: {  	v4 =	vmul.u32 $0x30, v56  }
0x22f: {  	v3 =	vand.u32 $0x7, v3  }
0x230: {  	v3 =	vor.u32 v3, v4  }
0x231: {  	v4 =	vperm.xlane v3, v0;
	_ =	sdelay $0x1  }
0x232: {  	v4 =	vadd.s32 v1, v4;
	_ =	sdelay $0x3  }
0x233: {  	v3 =	vperm.xlane v3, v2  }
0x234: {  	[tilespmem:s13], [sflag:$0x3] =	stream.indirect_vreg.gather [hbm4b:s2+s3], $0x80, v4, vm0, $0xb8;
	[tilespmem:$0x1E200] =	vst v63  }
0x235: {  	s12 =	simm.s32 $0xCA00;
	v3 =	vadd.s32 v1, v3  }
0x236: {  	[tilespmem:s12], [sflag:$0x3] =	stream.indirect_vreg.gather [hbm4b:s5+s3], $0x80, v4, vm0, $0xb8;
	[tilespmem:$0x1E200] =	vst v63  }
0x237: {  	s12 =	simm.s32 $0xD200  }
0x238: {  	[tilespmem:s12], [sflag:$0x3] =	stream.indirect_vreg.gather [hbm4b:s6+s3], $0x80, v4, vm0, $0xb8;
	[tilespmem:$0x1E200] =	vst v63  }
0x239: {  	s12 =	simm.s32 $0xDA00  }
0x23a: {  	[tilespmem:s12], [sflag:$0x3] =	stream.indirect_vreg.gather [hbm4b:s2+s3], $0x80, v3, vm0, $0xb8;
	[tilespmem:$0x1E200] =	vst v63  }
0x23b: {  	s12 =	simm.s32 $0xE200  }
0x23c: {  	[tilespmem:s12], [sflag:$0x3] =	stream.indirect_vreg.gather [hbm4b:s5+s3], $0x80, v3, vm0, $0xb8;
	[tilespmem:$0x1E200] =	vst v63  }
0x23d: {  	s12 =	simm.s32 $0xEA00  }
0x23e: {  	[tilespmem:s12], [sflag:$0x3] =	stream.indirect_vreg.gather [hbm4b:s6+s3], $0x80, v3, vm0, $0xb8;
	[tilespmem:$0x1E200] =	vst v63  }
0x23f: {  	v3 =	vld [tilespmem:$0x190];
	_ =	sdelay $0x4  }
0x240: {  	v57 =	vshrl.u32 v3, $0x3  }
0x241: {  	v4 =	vmul.u32 $0x30, v57  }
0x242: {  	v3 =	vand.u32 $0x7, v3  }
0x243: {  	v3 =	vor.u32 v3, v4  }
0x244: {  	v4 =	vperm.xlane v3, v0;
	_ =	sdelay $0x1  }
0x245: {  	v4 =	vadd.s32 v1, v4;
	_ =	sdelay $0x3  }
0x246: {  	s12 =	simm.s32 $0xF200;
	v3 =	vperm.xlane v3, v2  }
0x247: {  	[tilespmem:s12], [sflag:$0x3] =	stream.indirect_vreg.gather [hbm4b:s2+s3], $0x80, v4, vm0, $0xb8;
	[tilespmem:$0x1E200] =	vst v63  }
0x248: {  	v3 =	vadd.s32 v1, v3;
	s12 =	simm.s32 $0xFA00  }
0x249: {  	[tilespmem:s12], [sflag:$0x3] =	stream.indirect_vreg.gather [hbm4b:s5+s3], $0x80, v4, vm0, $0xb8;
	[tilespmem:$0x1E200] =	vst v63  }
0x24a: {  	s12 =	simm.s32 $0x10200  }
0x24b: {  	[tilespmem:s12], [sflag:$0x3] =	stream.indirect_vreg.gather [hbm4b:s6+s3], $0x80, v4, vm0, $0xb8;
	[tilespmem:$0x1E200] =	vst v63  }
0x24c: {  	s12 =	simm.s32 $0x10A00  }
0x24d: {  	[tilespmem:s12], [sflag:$0x3] =	stream.indirect_vreg.gather [hbm4b:s2+s3], $0x80, v3, vm0, $0xb8;
	[tilespmem:$0x1E200] =	vst v63  }
0x24e: {  	s12 =	simm.s32 $0x11200  }
0x24f: {  	[tilespmem:s12], [sflag:$0x3] =	stream.indirect_vreg.gather [hbm4b:s5+s3], $0x80, v3, vm0, $0xb8;
	[tilespmem:$0x1E200] =	vst v63  }
0x250: {  	s12 =	simm.s32 $0x11A00  }
0x251: {  	[tilespmem:s12], [sflag:$0x3] =	stream.indirect_vreg.gather [hbm4b:s6+s3], $0x80, v3, vm0, $0xb8;
	[tilespmem:$0x1E200] =	vst v63  }
0x252: {  	_ =	swait.ge [sflag:s0], $0x6000  }
0x253: {  	[sflag:s0] =	ssyncset.done $0x0  }
0x254: {  	s12 =	rddreg [dreg:$0xf];
	[sflag:s0] =	ssyncadd.s32 $0xFFFFA000  }
0x255: {  	[hbm4b:s12+s3] =	stream.linear.scatter [tilespmem:s4], [sflag:$0x9], $0x6000, $0x38;
	[tilespmem:$0x1E200] =	vst v63  }
0x256: {  	_ =	swait.ge [sflag:s1], $0x6000  }
0x257: {  	[sflag:s1] =	ssyncset.done $0x0  }
0x258: {  	[sflag:s1] =	ssyncadd.s32 $0xFFFFA000  }
0x259: {  	v3 =	vld [tilespmem:$0x1A0];
	_ =	sdelay $0x4  }
0x25a: {  	v58 =	vshrl.u32 v3, $0x3  }
0x25b: {  	v4 =	vmul.u32 $0x30, v58  }
0x25c: {  	v3 =	vand.u32 $0x7, v3  }
0x25d: {  	v3 =	vor.u32 v3, v4  }
0x25e: {  	v4 =	vperm.xlane v3, v0;
	_ =	sdelay $0x1  }
0x25f: {  	v4 =	vadd.s32 v1, v4;
	_ =	sdelay $0x3  }
0x260: {  	v3 =	vperm.xlane v3, v2  }
0x261: {  	[tilespmem:s4], [sflag:$0x4] =	stream.indirect_vreg.gather [hbm4b:s2+s3], $0x80, v4, vm0, $0xb8;
	[tilespmem:$0x1E200] =	vst v63  }
0x262: {  	s12 =	simm.s32 $0x12A00;
	v3 =	vadd.s32 v1, v3  }
0x263: {  	[tilespmem:s12], [sflag:$0x4] =	stream.indirect_vreg.gather [hbm4b:s5+s3], $0x80, v4, vm0, $0xb8;
	[tilespmem:$0x1E200] =	vst v63  }
0x264: {  	s12 =	simm.s32 $0x13200  }
0x265: {  	[tilespmem:s12], [sflag:$0x4] =	stream.indirect_vreg.gather [hbm4b:s6+s3], $0x80, v4, vm0, $0xb8;
	[tilespmem:$0x1E200] =	vst v63  }
0x266: {  	s12 =	simm.s32 $0x13A00  }
0x267: {  	[tilespmem:s12], [sflag:$0x4] =	stream.indirect_vreg.gather [hbm4b:s2+s3], $0x80, v3, vm0, $0xb8;
	[tilespmem:$0x1E200] =	vst v63  }
0x268: {  	s12 =	simm.s32 $0x14200  }
0x269: {  	[tilespmem:s12], [sflag:$0x4] =	stream.indirect_vreg.gather [hbm4b:s5+s3], $0x80, v3, vm0, $0xb8;
	[tilespmem:$0x1E200] =	vst v63  }
0x26a: {  	s12 =	simm.s32 $0x14A00  }
0x26b: {  	[tilespmem:s12], [sflag:$0x4] =	stream.indirect_vreg.gather [hbm4b:s6+s3], $0x80, v3, vm0, $0xb8;
	[tilespmem:$0x1E200] =	vst v63  }
0x26c: {  	v3 =	vld [tilespmem:$0x1B0];
	_ =	sdelay $0x4  }
0x26d: {  	v59 =	vshrl.u32 v3, $0x3  }
0x26e: {  	v4 =	vmul.u32 $0x30, v59  }
0x26f: {  	v3 =	vand.u32 $0x7, v3  }
0x270: {  	v3 =	vor.u32 v3, v4  }
0x271: {  	v4 =	vperm.xlane v3, v0;
	_ =	sdelay $0x1  }
0x272: {  	v4 =	vadd.s32 v1, v4;
	_ =	sdelay $0x3  }
0x273: {  	s12 =	simm.s32 $0x15200;
	v3 =	vperm.xlane v3, v2  }
0x274: {  	[tilespmem:s12], [sflag:$0x4] =	stream.indirect_vreg.gather [hbm4b:s2+s3], $0x80, v4, vm0, $0xb8;
	[tilespmem:$0x1E200] =	vst v63  }
0x275: {  	v3 =	vadd.s32 v1, v3;
	s12 =	simm.s32 $0x15A00  }
0x276: {  	[tilespmem:s12], [sflag:$0x4] =	stream.indirect_vreg.gather [hbm4b:s5+s3], $0x80, v4, vm0, $0xb8;
	[tilespmem:$0x1E200] =	vst v63  }
0x277: {  	s12 =	simm.s32 $0x16200  }
0x278: {  	[tilespmem:s12], [sflag:$0x4] =	stream.indirect_vreg.gather [hbm4b:s6+s3], $0x80, v4, vm0, $0xb8;
	[tilespmem:$0x1E200] =	vst v63  }
0x279: {  	s12 =	simm.s32 $0x16A00  }
0x27a: {  	[tilespmem:s12], [sflag:$0x4] =	stream.indirect_vreg.gather [hbm4b:s2+s3], $0x80, v3, vm0, $0xb8;
	[tilespmem:$0x1E200] =	vst v63  }
0x27b: {  	s12 =	simm.s32 $0x17200  }
0x27c: {  	[tilespmem:s12], [sflag:$0x4] =	stream.indirect_vreg.gather [hbm4b:s5+s3], $0x80, v3, vm0, $0xb8;
	[tilespmem:$0x1E200] =	vst v63  }
0x27d: {  	s12 =	simm.s32 $0x17A00  }
0x27e: {  	[tilespmem:s12], [sflag:$0x4] =	stream.indirect_vreg.gather [hbm4b:s6+s3], $0x80, v3, vm0, $0xb8;
	[tilespmem:$0x1E200] =	vst v63  }
0x27f: {  	_ =	swait.ge [sflag:s23], $0x6000  }
0x280: {  	[sflag:s23] =	ssyncset.done $0x0  }
0x281: {  	s12 =	rddreg [dreg:$0x10];
	[sflag:s23] =	ssyncadd.s32 $0xFFFFA000  }
0x282: {  	[hbm4b:s12+s3] =	stream.linear.scatter [tilespmem:s28], [sflag:$0xA], $0x6000, $0x38;
	[tilespmem:$0x1E200] =	vst v63  }
0x283: {  	_ =	swait.ge [sflag:s11], $0x6000  }
0x284: {  	[sflag:s11] =	ssyncset.done $0x0  }
0x285: {  	[sflag:s11] =	ssyncadd.s32 $0xFFFFA000  }
0x286: {  	v3 =	vld [tilespmem:$0x1C0];
	_ =	sdelay $0x4  }
0x287: {  	v60 =	vshrl.u32 v3, $0x3  }
0x288: {  	v4 =	vmul.u32 $0x30, v60  }
0x289: {  	v3 =	vand.u32 $0x7, v3  }
0x28a: {  	v3 =	vor.u32 v3, v4  }
0x28b: {  	v4 =	vperm.xlane v3, v0;
	_ =	sdelay $0x1  }
0x28c: {  	v4 =	vadd.s32 v1, v4;
	_ =	sdelay $0x3  }
0x28d: {  	v3 =	vperm.xlane v3, v2  }
0x28e: {  	[tilespmem:s28], [sflag:$0x5] =	stream.indirect_vreg.gather [hbm4b:s2+s3], $0x80, v4, vm0, $0xb8;
	[tilespmem:$0x1E200] =	vst v63  }
0x28f: {  	s12 =	simm.s32 $0x18A00;
	v3 =	vadd.s32 v1, v3  }
0x290: {  	[tilespmem:s12], [sflag:$0x5] =	stream.indirect_vreg.gather [hbm4b:s5+s3], $0x80, v4, vm0, $0xb8;
	[tilespmem:$0x1E200] =	vst v63  }
0x291: {  	s12 =	simm.s32 $0x19200  }
0x292: {  	[tilespmem:s12], [sflag:$0x5] =	stream.indirect_vreg.gather [hbm4b:s6+s3], $0x80, v4, vm0, $0xb8;
	[tilespmem:$0x1E200] =	vst v63  }
0x293: {  	s12 =	simm.s32 $0x19A00  }
0x294: {  	[tilespmem:s12], [sflag:$0x5] =	stream.indirect_vreg.gather [hbm4b:s2+s3], $0x80, v3, vm0, $0xb8;
	[tilespmem:$0x1E200] =	vst v63  }
0x295: {  	s12 =	simm.s32 $0x1A200  }
0x296: {  	[tilespmem:s12], [sflag:$0x5] =	stream.indirect_vreg.gather [hbm4b:s5+s3], $0x80, v3, vm0, $0xb8;
	[tilespmem:$0x1E200] =	vst v63  }
0x297: {  	s12 =	simm.s32 $0x1AA00  }
0x298: {  	[tilespmem:s12], [sflag:$0x5] =	stream.indirect_vreg.gather [hbm4b:s6+s3], $0x80, v3, vm0, $0xb8;
	[tilespmem:$0x1E200] =	vst v63  }
0x299: {  	v3 =	vld [tilespmem:$0x1D0];
	_ =	sdelay $0x4  }
0x29a: {  	v61 =	vshrl.u32 v3, $0x3  }
0x29b: {  	v4 =	vmul.u32 $0x30, v61  }
0x29c: {  	v3 =	vand.u32 $0x7, v3  }
0x29d: {  	v3 =	vor.u32 v3, v4  }
0x29e: {  	v4 =	vperm.xlane v3, v0;
	_ =	sdelay $0x1  }
0x29f: {  	v4 =	vadd.s32 v1, v4;
	_ =	sdelay $0x3  }
0x2a0: {  	s12 =	simm.s32 $0x1B200;
	v3 =	vperm.xlane v3, v2  }
0x2a1: {  	[tilespmem:s12], [sflag:$0x5] =	stream.indirect_vreg.gather [hbm4b:s2+s3], $0x80, v4, vm0, $0xb8;
	[tilespmem:$0x1E200] =	vst v63  }
0x2a2: {  	v3 =	vadd.s32 v1, v3;
	s12 =	simm.s32 $0x1BA00  }
0x2a3: {  	[tilespmem:s12], [sflag:$0x5] =	stream.indirect_vreg.gather [hbm4b:s5+s3], $0x80, v4, vm0, $0xb8;
	[tilespmem:$0x1E200] =	vst v63  }
0x2a4: {  	s12 =	simm.s32 $0x1C200  }
0x2a5: {  	[tilespmem:s12], [sflag:$0x5] =	stream.indirect_vreg.gather [hbm4b:s6+s3], $0x80, v4, vm0, $0xb8;
	[tilespmem:$0x1E200] =	vst v63  }
0x2a6: {  	s12 =	simm.s32 $0x1CA00  }
0x2a7: {  	[tilespmem:s12], [sflag:$0x5] =	stream.indirect_vreg.gather [hbm4b:s2+s3], $0x80, v3, vm0, $0xb8;
	[tilespmem:$0x1E200] =	vst v63  }
0x2a8: {  	s12 =	simm.s32 $0x1D200  }
0x2a9: {  	[tilespmem:s12], [sflag:$0x5] =	stream.indirect_vreg.gather [hbm4b:s5+s3], $0x80, v3, vm0, $0xb8;
	[tilespmem:$0x1E200] =	vst v63  }
0x2aa: {  	s12 =	simm.s32 $0x1DA00  }
0x2ab: {  	[tilespmem:s12], [sflag:$0x5] =	stream.indirect_vreg.gather [hbm4b:s6+s3], $0x80, v3, vm0, $0xb8;
	[tilespmem:$0x1E200] =	vst v63  }
0x2ac: {  	_ =	swait.ge [sflag:s25], $0x6000  }
0x2ad: {  	[sflag:s25] =	ssyncset.done $0x0  }
0x2ae: {  	s12 =	rddreg [dreg:$0x11];
	[sflag:s25] =	ssyncadd.s32 $0xFFFFA000  }
0x2af: {  	[hbm4b:s12+s3] =	stream.linear.scatter [tilespmem:s9], [sflag:$0x6], $0x6000, $0x38;
	[tilespmem:$0x1E200] =	vst v63  }
0x2b0: {  	_ =	swait.ge [sflag:s26], $0x6000  }
0x2b1: {  	[sflag:s26] =	ssyncset.done $0x0  }
0x2b2: {  	[sflag:s26] =	ssyncadd.s32 $0xFFFFA000  }
0x2b3: {  	v3 =	vld [tilespmem:$0x1E0];
	_ =	sdelay $0x4  }
0x2b4: {  	v62 =	vshrl.u32 v3, $0x3  }
0x2b5: {  	v4 =	vmul.u32 $0x30, v62  }
0x2b6: {  	v3 =	vand.u32 $0x7, v3  }
0x2b7: {  	v3 =	vor.u32 v3, v4  }
0x2b8: {  	v4 =	vperm.xlane v3, v0;
	_ =	sdelay $0x1  }
0x2b9: {  	v4 =	vadd.s32 v1, v4;
	_ =	sdelay $0x3  }
0x2ba: {  	v3 =	vperm.xlane v3, v2  }
0x2bb: {  	[tilespmem:s9], [sflag:$0x1] =	stream.indirect_vreg.gather [hbm4b:s2+s3], $0x80, v4, vm0, $0xb8;
	[tilespmem:$0x1E200] =	vst v63  }
0x2bc: {  	s14 =	simm.s32 $0xA00;
	v3 =	vadd.s32 v1, v3  }
0x2bd: {  	[tilespmem:s14], [sflag:$0x1] =	stream.indirect_vreg.gather [hbm4b:s5+s3], $0x80, v4, vm0, $0xb8;
	[tilespmem:$0x1E200] =	vst v63  }
0x2be: {  	s16 =	simm.s32 $0x1200  }
0x2bf: {  	[tilespmem:s16], [sflag:$0x1] =	stream.indirect_vreg.gather [hbm4b:s6+s3], $0x80, v4, vm0, $0xb8;
	[tilespmem:$0x1E200] =	vst v63  }
0x2c0: {  	s17 =	simm.s32 $0x1A00  }
0x2c1: {  	[tilespmem:s17], [sflag:$0x1] =	stream.indirect_vreg.gather [hbm4b:s2+s3], $0x80, v3, vm0, $0xb8;
	[tilespmem:$0x1E200] =	vst v63  }
0x2c2: {  	s18 =	simm.s32 $0x2200  }
0x2c3: {  	[tilespmem:s18], [sflag:$0x1] =	stream.indirect_vreg.gather [hbm4b:s5+s3], $0x80, v3, vm0, $0xb8;
	[tilespmem:$0x1E200] =	vst v63  }
0x2c4: {  	s16 =	simm.s32 $0x2A00  }
0x2c5: {  	[tilespmem:s16], [sflag:$0x1] =	stream.indirect_vreg.gather [hbm4b:s6+s3], $0x80, v3, vm0, $0xb8;
	[tilespmem:$0x1E200] =	vst v63  }
0x2c6: {  	v3 =	vld [tilespmem:$0x1F0];
	_ =	sdelay $0x4  }
0x2c7: {  	v63 =	vshrl.u32 v3, $0x3  }
0x2c8: {  	v4 =	vmul.u32 $0x30, v63  }
0x2c9: {  	v3 =	vand.u32 $0x7, v3  }
0x2ca: {  	v3 =	vor.u32 v3, v4  }
0x2cb: {  	v4 =	vperm.xlane v3, v0;
	_ =	sdelay $0x1  }
0x2cc: {  	v4 =	vadd.s32 v1, v4;
	_ =	sdelay $0x3  }
0x2cd: {  	s17 =	simm.s32 $0x3200;
	v3 =	vperm.xlane v3, v2  }
0x2ce: {  	[tilespmem:s17], [sflag:$0x1] =	stream.indirect_vreg.gather [hbm4b:s2+s3], $0x80, v4, vm0, $0xb8;
	[tilespmem:$0x1E200] =	vst v63  }
0x2cf: {  	s19 =	simm.s32 $0x3A00;
	v3 =	vadd.s32 v1, v3  }
0x2d0: {  	[tilespmem:s19], [sflag:$0x1] =	stream.indirect_vreg.gather [hbm4b:s5+s3], $0x80, v4, vm0, $0xb8;
	[tilespmem:$0x1E200] =	vst v63  }
0x2d1: {  	s20 =	simm.s32 $0x4200  }
0x2d2: {  	[tilespmem:s20], [sflag:$0x1] =	stream.indirect_vreg.gather [hbm4b:s6+s3], $0x80, v4, vm0, $0xb8;
	[tilespmem:$0x1E200] =	vst v63  }
0x2d3: {  	s21 =	simm.s32 $0x4A00  }
0x2d4: {  	[tilespmem:s21], [sflag:$0x1] =	stream.indirect_vreg.gather [hbm4b:s2+s3], $0x80, v3, vm0, $0xb8;
	[tilespmem:$0x1E200] =	vst v63  }
0x2d5: {  	s22 =	simm.s32 $0x5200  }
0x2d6: {  	[tilespmem:s22], [sflag:$0x1] =	stream.indirect_vreg.gather [hbm4b:s5+s3], $0x80, v3, vm0, $0xb8;
	[tilespmem:$0x1E200] =	vst v63  }
0x2d7: {  	s8 =	simm.s32 $0x5A00  }
0x2d8: {  	[tilespmem:s8], [sflag:$0x1] =	stream.indirect_vreg.gather [hbm4b:s6+s3], $0x80, v3, vm0, $0xb8;
	[tilespmem:$0x1E200] =	vst v63  }
0x2d9: {  	_ =	swait.ge [sflag:s24], $0x6000  }
0x2da: {  	[sflag:s24] =	ssyncset.done $0x0  }
0x2db: {  	s18 =	rddreg [dreg:$0x12];
	[sflag:s24] =	ssyncadd.s32 $0xFFFFA000  }
0x2dc: {  	[hbm4b:s18+s3] =	stream.linear.scatter [tilespmem:s15], [sflag:$0x7], $0x6000, $0x38;
	[tilespmem:$0x1E200] =	vst v63  }
0x2dd: {  	_ =	swait.ge [sflag:s30], $0x6000  }
0x2de: {  	[sflag:s30] =	ssyncset.done $0x0  }
0x2df: {  	s19 =	rddreg [dreg:$0x13];
	[sflag:s30] =	ssyncadd.s32 $0xFFFFA000  }
0x2e0: {  	[hbm4b:s19+s3] =	stream.linear.scatter [tilespmem:s13], [sflag:$0x8], $0x6000, $0x38;
	[tilespmem:$0x1E200] =	vst v63  }
0x2e1: {  	_ =	swait.ge [sflag:s0], $0x6000  }
0x2e2: {  	[sflag:s0] =	ssyncset.done $0x0  }
0x2e3: {  	s20 =	rddreg [dreg:$0x14];
	[sflag:s0] =	ssyncadd.s32 $0xFFFFA000  }
0x2e4: {  	[hbm4b:s20+s3] =	stream.linear.scatter [tilespmem:s4], [sflag:$0x9], $0x6000, $0x38;
	[tilespmem:$0x1E200] =	vst v63  }
0x2e5: {  	_ =	swait.ge [sflag:s23], $0x6000  }
0x2e6: {  	[sflag:s23] =	ssyncset.done $0x0  }
0x2e7: {  	s21 =	rddreg [dreg:$0x15];
	[sflag:s23] =	ssyncadd.s32 $0xFFFFA000  }
0x2e8: {  	[hbm4b:s21+s3] =	stream.linear.scatter [tilespmem:s28], [sflag:$0xA], $0x6000, $0x38;
	[tilespmem:$0x1E200] =	vst v63  }
0x2e9: {  	_ =	swait.ge [sflag:s25], $0x6000  }
0x2ea: {  	[sflag:s25] =	ssyncset.done $0x0  }
0x2eb: {  	s22 =	rddreg [dreg:$0x16];
	[sflag:s25] =	ssyncadd.s32 $0xFFFFA000  }
0x2ec: {  	[hbm4b:s22+s3] =	stream.linear.scatter [tilespmem:s9], [sflag:$0x6], $0x6000, $0x38;
	[tilespmem:$0x1E200] =	vst v63  }
0x2ed: {  	_ =	swait.ge [sflag:s29], $0x6000  }
0x2ee: {  	[sflag:s29] =	ssyncset.done $0x0  }
0x2ef: {  	[sflag:s29] =	ssyncadd.s32 $0xFFFFA000  }
0x2f0: {  	_ =	swait.ge [sflag:s31], $0x6000  }
0x2f1: {  	[sflag:s31] =	ssyncset.done $0x0  }
0x2f2: {  	[sflag:s31] =	ssyncadd.s32 $0xFFFFA000  }
0x2f3: {  	_ =	swait.ge [sflag:s1], $0x6000  }
0x2f4: {  	[sflag:s1] =	ssyncset.done $0x0  }
0x2f5: {  	[sflag:s1] =	ssyncadd.s32 $0xFFFFA000  }
0x2f6: {  	_ =	swait.ge [sflag:s11], $0x6000  }
0x2f7: {  	[sflag:s11] =	ssyncset.done $0x0  }
0x2f8: {  	[sflag:s11] =	ssyncadd.s32 $0xFFFFA000  }
0x2f9: {  	p0 =	sne.s32 s7, $0x1;
	_ =	swait.ge [sflag:s26], $0x6000  }
.Ltmp0:
0x2fa: {  	[sflag:s26] =	ssyncset.done $0x0;
	(pc) =	sbr.rel @p0 .LBB2_1-.Ltmp0, $4  }
0x2fb: {  	[sflag:s26] =	ssyncadd.s32 $0xFFFFA000  }
0x2fc: {  	_ =	swait.ge [sflag:s10], $0x200  }
0x2fd: {  	[sflag:s10] =	ssyncset.done $0x0  }
0x2fe: {  	s7 =	sadd.s32 $0xFFFFFFFF, s7;
	[sflag:s10] =	ssyncadd.s32 $0xFFFFFE00  }
0x2ff: {  	_ =	sfence.sel $0x180000  }
0x300: {  	[bflag:$0x0] =	sbarrier.arrive $0xFFFF  }
0x301: {  	_ =	strace $0x90000047  }
0x302: {  	s0 =	stileid.u32;
	[bflag:$0x2] =	sbarrier.arrive $0xFFFF  }
0x303: {  	p0 =	sne.s32 s0, $0x0;
	s0 =	rddreg [dreg:$0x4]  }
0x304: {  	s0 =	sadd.s32 @!p0 $0x100000, s0  }
0x305: {  	[sflag:s0] =	ssyncadd.tile.s32 @!p0 $0x1;
	_ =	shalt  }
.Lfunc_end2:
_tile_overlayer_lowered:
.L_overlay_start_2:
0x306: {  	(tag) =	ssettag $0x2  }
0x307: {  	s0 =	rddreg [dreg:$0x0];
	s2 =	stileid.u32  }
0x308: {  	s1 =	rddreg [dreg:$0x1];
	p0 =	sne.s32 s2, $0x0  }
0x309: {  	s3 =	rddreg [dreg:$0x2];
	[bflag:$0x3] =	sbarrier.arrive $0xFFFF;
	s2 =	simm.s32 @!p0 $0x1C0C  }
0x30a: {  	[timem:s3], [sflag:s2] =	dma.local @!p0 [hbm:s0], s1  }
0x30b: {  	s0 =	simm.s32 @!p0 $0xC  }
0x30c: {  	_ =	swait.ge @!p0 [sflag:s0], s1  }
0x30d: {  	s1 =	ssub.s32 @!p0 $0x0, s1;
	[sflag:s0] =	ssyncset.done @!p0 $0x0  }
0x30e: {  	[sflag:s0] =	ssyncadd.s32 @!p0 s1  }
0x30f: {  	[bflag:$0x3] =	sbarrier.arrive $0xFFFF  }
0x310: {  	_ =	shalt  }

</sc_bundles>
